<compile_context>
chip_gen: v7x
topology: tpu7x:2x2x1
jax: 0.10.2.dev20260603
libtpu: 0.0.44.dev20260713+nightly
codegen_flags: <defaults>
</compile_context>

<pallas_src>
import functools

import jax
import jax.numpy as jnp
from jax import lax
from jax.experimental import pallas as pl
from jax.experimental.pallas import tpu as pltpu
from jax.experimental.pallas import tpu_sc as plsc

_LANES = 16


def _sc_gather_multipliers(cu_pad, tab, total, n_cu):
    info = plsc.get_sparse_core_info()
    nc, ns = info.num_cores, info.num_subcores
    nw = nc * ns
    per_w = total // nw
    n_chunk = per_w // 128
    width = tab.shape[1]

    mesh = plsc.VectorSubcoreMesh(core_axis_name="c", subcore_axis_name="s")

    @functools.partial(
        pl.kernel,
        mesh=mesh,
        out_type=jax.ShapeDtypeStruct((total, width), jnp.float32),
        scratch_types=[
            pltpu.VMEM((_LANES,), jnp.int32),
            pltpu.VMEM((n_chunk, 128), jnp.int32),
            pltpu.VMEM((n_chunk, 128, width), jnp.float32),
            pltpu.SemaphoreType.DMA,
        ],
    )
    def k(cu_hbm, tab_hbm, out_hbm, cu_v, idx_v, rows_v, sem):
        wid = lax.axis_index("s") * nc + lax.axis_index("c")
        base = wid * per_w
        pltpu.sync_copy(cu_hbm, cu_v)
        cu_vec = cu_v[...]
        cub = [
            cu_vec.at[jnp.full((_LANES,), j, jnp.int32)].get(
                mode="promise_in_bounds")
            for j in range(n_cu)
        ]
        ones = jnp.ones((_LANES,), jnp.int32)
        zero = jnp.zeros((_LANES,), jnp.int32)
        for i in range(per_w // _LANES):
            tokv = base + i * _LANES + lax.iota(jnp.int32, 16)
            cnt = zero
            for j in range(1, n_cu):
                cnt = cnt + jnp.where(tokv >= cub[j], ones, zero)
            off = cu_vec.at[cnt].get(mode="promise_in_bounds")
            pos = tokv - off
            c = (i * _LANES) // 128
            idx_v[c, pl.ds((i * _LANES) % 128, _LANES)] = pos
        copies = [
            pltpu.async_copy(tab_hbm.at[idx_v.at[c]], rows_v.at[c], sem)
            for c in range(n_chunk)
        ]
        for c in range(n_chunk):
            copies[c].wait()
        for c in range(n_chunk):
            pltpu.sync_copy(rows_v.at[c],
                            out_hbm.at[pl.ds(base + c * 128, 128)])

    return k(cu_pad, tab)


def _tc_rotate(qkv3, tokcs, block_t):
    total = qkv3.shape[0]
    nh2 = qkv3.shape[2]

    def body(x_ref, cs_ref, o_ref):
        cs = cs_ref[...]
        c32 = cs[:, 0:32]
        s32 = cs[:, 32:64]
        cc = jnp.concatenate([c32, c32, c32, c32], axis=-1)[:, None, None, :]
        ss = jnp.concatenate([-s32, s32, -s32, s32], axis=-1)[:, None, None, :]
        qk = x_ref[:, 0:2]
        sw = jnp.concatenate(
            [qk[..., 32:64], qk[..., 0:32], qk[..., 96:128], qk[..., 64:96]],
            axis=-1)
        o_ref[:, 0:2] = qk * cc + sw * ss
        o_ref[:, 2:3] = x_ref[:, 2:3]

    return pl.pallas_call(
        body,
        grid=(total // block_t,),
        in_specs=[
            pl.BlockSpec((block_t, 3, nh2, 128), lambda i: (i, 0, 0, 0)),
            pl.BlockSpec((block_t, 128), lambda i: (i, 0)),
        ],
        out_specs=pl.BlockSpec((block_t, 3, nh2, 128), lambda i: (i, 0, 0, 0)),
        out_shape=jax.ShapeDtypeStruct(qkv3.shape, jnp.float32),
    )(qkv3, tokcs)


def kernel(qkv, cu_seqlens, max_seqlen, cos, sin):
    total, three, nheads, dim = qkv.shape
    n_cu = cu_seqlens.shape[0]

    tab = jnp.concatenate([cos, sin, cos, sin], axis=1)
    cu_pad = jnp.full((_LANES,), jnp.iinfo(jnp.int32).max, jnp.int32)
    cu_pad = lax.dynamic_update_slice(cu_pad, cu_seqlens.astype(jnp.int32),
                                      (0,))

    tokcs = _sc_gather_multipliers(cu_pad, tab, total, n_cu)

    qkv3 = qkv.reshape(total, three, nheads // 2, 2 * dim)
    out3 = _tc_rotate(qkv3, tokcs, block_t=512)
    return out3.reshape(qkv.shape)

# --- scband reference (transcript-rebuilt; emitter-appended) ---
"""Pipeline reference for scband-unpadded-rotary-embedding-42880953483538 (READ-ONLY COPY).

The authoritative reference and input builder live on the scoring server;
editing this copy changes nothing except your own understanding.
"""

import jax, jax.numpy as jnp
import numpy as np

DIM = 64
BASE = 10000.0
SEQLEN_RO = 2048
NHEADS = 16
TOTAL = 8192


def _cos_sin_cache(seqlen_ro, dim, base):
    inv_freq = 1.0 / (base ** (jnp.arange(0, dim, 2, dtype=jnp.float32) / dim))
    t = jnp.arange(seqlen_ro, dtype=jnp.float32)
    freqs = jnp.outer(t, inv_freq)  # (seqlen_ro, dim/2)
    return jnp.cos(freqs), jnp.sin(freqs)


def setup_inputs(seed: int = 0) -> dict:
    key = jax.random.key(seed)
    k1, _ = jax.random.split(key)
    qkv = jax.random.normal(k1, (TOTAL, 3, NHEADS, DIM), dtype=jnp.float32)
    # variable-length sequences: 8 seqs summing to TOTAL, each <= max_seqlen=2048
    lens = np.array([512, 1536, 2048, 640, 896, 1024, 768, 768], dtype=np.int32)
    assert lens.sum() == TOTAL and lens.max() <= SEQLEN_RO
    cu_seqlens = jnp.asarray(np.concatenate([[0], np.cumsum(lens)]), dtype=jnp.int32)
    cos, sin = _cos_sin_cache(SEQLEN_RO, DIM, BASE)
    return {"qkv": qkv, "cu_seqlens": cu_seqlens, "max_seqlen": 2048, "cos": cos, "sin": sin}


def reference(qkv, cu_seqlens, max_seqlen, cos, sin):
    total = qkv.shape[0]
    tok = jnp.arange(total)
    # which sequence each token belongs to, then its within-sequence position
    seg = jnp.searchsorted(cu_seqlens, tok, side='right') - 1
    pos = tok - jnp.take(cu_seqlens, seg)
    c = jnp.take(cos, pos, axis=0)  # (total, dim/2)
    s = jnp.take(sin, pos, axis=0)
    half = cos.shape[1]
    qk = qkv[:, :2]  # (total, 2, H, D) -- rotary applied to q and k only
    x0 = qk[..., :half]
    x1 = qk[..., half:2 * half]
    cb = c[:, None, None, :]
    sb = s[:, None, None, :]
    o0 = x0 * cb - x1 * sb
    o1 = x0 * sb + x1 * cb
    qk_rot = jnp.concatenate([o0, o1, qk[..., 2 * half:]], axis=-1)
    out = jnp.concatenate([qk_rot, qkv[:, 2:]], axis=1)
    return out

if __name__ == "__main__":
    import jax
    _d = setup_inputs()
    print(jax.jit(kernel)(*tuple(_d.values())))

</pallas_src>

<mosaic_0001>
#map = affine_map<(d0, d1) -> (0)>
#map1 = affine_map<(d0, d1) -> (0, 0)>
module attributes {stable_mosaic.version = 14 : i64} {
  func.func @k(%arg0: i32, %arg1: i32, %arg2: memref<16xi32, #tpu.memory_space<hbm>>, %arg3: memref<2048x128xf32, #tpu.memory_space<hbm>>, %arg4: memref<8192x128xf32, #tpu.memory_space<hbm>>, %arg5: memref<16xi32, #tpu.memory_space<vmem>>, %arg6: memref<2x128xi32, #tpu.memory_space<vmem>>, %arg7: memref<2x128x128xf32, #tpu.memory_space<vmem>>, %arg8: memref<!tpu.dma_semaphore, #tpu.memory_space<semaphore_mem>>) attributes {dimension_semantics = [#tpu.dimension_semantics<core_parallel>, #tpu.dimension_semantics<subcore_parallel>], iteration_bounds = array<i64: 2, 16>, scalar_prefetch = 0 : i64, scratch_operands = 4 : i64, tpu.core_type = #tpu.core_type<sc_vector_subcore>, window_params = [{transform_indices = #map}, {transform_indices = #map1}, {transform_indices = #map1}]} {
    %mul3A = arith.constant 2 : i32
    %mul3A_0 = arith.muli %arg1, %mul3A : i32
    %add3A = arith.addi %mul3A_0, %arg0 : i32
    %mul3A_1 = arith.constant 256 : i32
    %mul3A_2 = arith.muli %add3A, %mul3A_1 : i32
    "tpu.region"() ({
      %run_scoped3A_896 = tpu.sem_alloc : memref<!tpu.dma_semaphore, #tpu.memory_space<semaphore_mem>>
      tpu.enqueue_dma source(%arg2 : memref<16xi32, #tpu.memory_space<hbm>>) target(%arg5 : memref<16xi32, #tpu.memory_space<vmem>>) target_semaphore(%run_scoped3A_896 : memref<!tpu.dma_semaphore, #tpu.memory_space<semaphore_mem>>)
      tpu.wait_dma2 semaphore(%run_scoped3A_896 : memref<!tpu.dma_semaphore, #tpu.memory_space<semaphore_mem>>) src(%arg2 : memref<16xi32, #tpu.memory_space<hbm>>) dst(%arg5 : memref<16xi32, #tpu.memory_space<vmem>>)
      tpu.yield
    }) : () -> ()
    %get3A = arith.constant 0 : index
    %get3A_3 = tpu.vector_load %arg5[%get3A] {strides = array<i32>} : memref<16xi32, #tpu.memory_space<vmem>>, vector<16xi32>,
    %get3A_4 = vector.shape_cast %get3A_3 : vector<16xi32> to vector<16xi32>
    %broadcast_in_dim3A = arith.constant 0 : i32
    %broadcast_in_dim3A_5 = vector.broadcast %broadcast_in_dim3A : i32 to vector<16xi32>
    %lt3A = arith.constant 0 : i32
    %lt3A_6 = vector.broadcast %lt3A : i32 to vector<16xi32>
    %lt3A_7 = arith.cmpi slt, %broadcast_in_dim3A_5, %lt3A_6 : vector<16xi32>
    %add3A_8 = arith.constant 16 : i32
    %add3A_9 = vector.broadcast %add3A_8 : i32 to vector<16xi32>
    %add3A_10 = arith.addi %broadcast_in_dim3A_5, %add3A_9 : vector<16xi32>
    %select_n3A = arith.select %lt3A_7, %add3A_10, %broadcast_in_dim3A_5 : vector<16xi1>, vector<16xi32>
    %broadcast_in_dim3A_11 = vector.shape_cast %select_n3A : vector<16xi32> to vector<16x1xi32>
    %gather3A = vector.shape_cast %broadcast_in_dim3A_11 : vector<16x1xi32> to vector<16xi32>
    %gather3A_12 = tpu.dynamic_gather %get3A_4[%gather3A] in [0] : vector<16xi32>, vector<16xi32> -> vector<16xi32>
    %broadcast_in_dim3A_13 = arith.constant 1 : i32
    %broadcast_in_dim3A_14 = vector.broadcast %broadcast_in_dim3A_13 : i32 to vector<16xi32>
    %lt3A_15 = arith.constant 0 : i32
    %lt3A_16 = vector.broadcast %lt3A_15 : i32 to vector<16xi32>
    %lt3A_17 = arith.cmpi slt, %broadcast_in_dim3A_14, %lt3A_16 : vector<16xi32>
    %add3A_18 = arith.constant 16 : i32
    %add3A_19 = vector.broadcast %add3A_18 : i32 to vector<16xi32>
    %add3A_20 = arith.addi %broadcast_in_dim3A_14, %add3A_19 : vector<16xi32>
    %select_n3A_21 = arith.select %lt3A_17, %add3A_20, %broadcast_in_dim3A_14 : vector<16xi1>, vector<16xi32>
    %broadcast_in_dim3A_22 = vector.shape_cast %select_n3A_21 : vector<16xi32> to vector<16x1xi32>
    %gather3A_23 = vector.shape_cast %broadcast_in_dim3A_22 : vector<16x1xi32> to vector<16xi32>
    %gather3A_24 = tpu.dynamic_gather %get3A_4[%gather3A_23] in [0] : vector<16xi32>, vector<16xi32> -> vector<16xi32>
    %broadcast_in_dim3A_25 = arith.constant 2 : i32
    %broadcast_in_dim3A_26 = vector.broadcast %broadcast_in_dim3A_25 : i32 to vector<16xi32>
    %lt3A_27 = arith.constant 0 : i32
    %lt3A_28 = vector.broadcast %lt3A_27 : i32 to vector<16xi32>
    %lt3A_29 = arith.cmpi slt, %broadcast_in_dim3A_26, %lt3A_28 : vector<16xi32>
    %add3A_30 = arith.constant 16 : i32
    %add3A_31 = vector.broadcast %add3A_30 : i32 to vector<16xi32>
    %add3A_32 = arith.addi %broadcast_in_dim3A_26, %add3A_31 : vector<16xi32>
    %select_n3A_33 = arith.select %lt3A_29, %add3A_32, %broadcast_in_dim3A_26 : vector<16xi1>, vector<16xi32>
    %broadcast_in_dim3A_34 = vector.shape_cast %select_n3A_33 : vector<16xi32> to vector<16x1xi32>
    %gather3A_35 = vector.shape_cast %broadcast_in_dim3A_34 : vector<16x1xi32> to vector<16xi32>
    %gather3A_36 = tpu.dynamic_gather %get3A_4[%gather3A_35] in [0] : vector<16xi32>, vector<16xi32> -> vector<16xi32>
    %broadcast_in_dim3A_37 = arith.constant 3 : i32
    %broadcast_in_dim3A_38 = vector.broadcast %broadcast_in_dim3A_37 : i32 to vector<16xi32>
    %lt3A_39 = arith.constant 0 : i32
    %lt3A_40 = vector.broadcast %lt3A_39 : i32 to vector<16xi32>
    %lt3A_41 = arith.cmpi slt, %broadcast_in_dim3A_38, %lt3A_40 : vector<16xi32>
    %add3A_42 = arith.constant 16 : i32
    %add3A_43 = vector.broadcast %add3A_42 : i32 to vector<16xi32>
    %add3A_44 = arith.addi %broadcast_in_dim3A_38, %add3A_43 : vector<16xi32>
    %select_n3A_45 = arith.select %lt3A_41, %add3A_44, %broadcast_in_dim3A_38 : vector<16xi1>, vector<16xi32>
    %broadcast_in_dim3A_46 = vector.shape_cast %select_n3A_45 : vector<16xi32> to vector<16x1xi32>
    %gather3A_47 = vector.shape_cast %broadcast_in_dim3A_46 : vector<16x1xi32> to vector<16xi32>
    %gather3A_48 = tpu.dynamic_gather %get3A_4[%gather3A_47] in [0] : vector<16xi32>, vector<16xi32> -> vector<16xi32>
    %broadcast_in_dim3A_49 = arith.constant 4 : i32
    %broadcast_in_dim3A_50 = vector.broadcast %broadcast_in_dim3A_49 : i32 to vector<16xi32>
    %lt3A_51 = arith.constant 0 : i32
    %lt3A_52 = vector.broadcast %lt3A_51 : i32 to vector<16xi32>
    %lt3A_53 = arith.cmpi slt, %broadcast_in_dim3A_50, %lt3A_52 : vector<16xi32>
    %add3A_54 = arith.constant 16 : i32
    %add3A_55 = vector.broadcast %add3A_54 : i32 to vector<16xi32>
    %add3A_56 = arith.addi %broadcast_in_dim3A_50, %add3A_55 : vector<16xi32>
    %select_n3A_57 = arith.select %lt3A_53, %add3A_56, %broadcast_in_dim3A_50 : vector<16xi1>, vector<16xi32>
    %broadcast_in_dim3A_58 = vector.shape_cast %select_n3A_57 : vector<16xi32> to vector<16x1xi32>
    %gather3A_59 = vector.shape_cast %broadcast_in_dim3A_58 : vector<16x1xi32> to vector<16xi32>
    %gather3A_60 = tpu.dynamic_gather %get3A_4[%gather3A_59] in [0] : vector<16xi32>, vector<16xi32> -> vector<16xi32>
    %broadcast_in_dim3A_61 = arith.constant 5 : i32
    %broadcast_in_dim3A_62 = vector.broadcast %broadcast_in_dim3A_61 : i32 to vector<16xi32>
    %lt3A_63 = arith.constant 0 : i32
    %lt3A_64 = vector.broadcast %lt3A_63 : i32 to vector<16xi32>
    %lt3A_65 = arith.cmpi slt, %broadcast_in_dim3A_62, %lt3A_64 : vector<16xi32>
    %add3A_66 = arith.constant 16 : i32
    %add3A_67 = vector.broadcast %add3A_66 : i32 to vector<16xi32>
    %add3A_68 = arith.addi %broadcast_in_dim3A_62, %add3A_67 : vector<16xi32>
    %select_n3A_69 = arith.select %lt3A_65, %add3A_68, %broadcast_in_dim3A_62 : vector<16xi1>, vector<16xi32>
    %broadcast_in_dim3A_70 = vector.shape_cast %select_n3A_69 : vector<16xi32> to vector<16x1xi32>
    %gather3A_71 = vector.shape_cast %broadcast_in_dim3A_70 : vector<16x1xi32> to vector<16xi32>
    %gather3A_72 = tpu.dynamic_gather %get3A_4[%gather3A_71] in [0] : vector<16xi32>, vector<16xi32> -> vector<16xi32>
    %broadcast_in_dim3A_73 = arith.constant 6 : i32
    %broadcast_in_dim3A_74 = vector.broadcast %broadcast_in_dim3A_73 : i32 to vector<16xi32>
    %lt3A_75 = arith.constant 0 : i32
    %lt3A_76 = vector.broadcast %lt3A_75 : i32 to vector<16xi32>
    %lt3A_77 = arith.cmpi slt, %broadcast_in_dim3A_74, %lt3A_76 : vector<16xi32>
    %add3A_78 = arith.constant 16 : i32
    %add3A_79 = vector.broadcast %add3A_78 : i32 to vector<16xi32>
    %add3A_80 = arith.addi %broadcast_in_dim3A_74, %add3A_79 : vector<16xi32>
    %select_n3A_81 = arith.select %lt3A_77, %add3A_80, %broadcast_in_dim3A_74 : vector<16xi1>, vector<16xi32>
    %broadcast_in_dim3A_82 = vector.shape_cast %select_n3A_81 : vector<16xi32> to vector<16x1xi32>
    %gather3A_83 = vector.shape_cast %broadcast_in_dim3A_82 : vector<16x1xi32> to vector<16xi32>
    %gather3A_84 = tpu.dynamic_gather %get3A_4[%gather3A_83] in [0] : vector<16xi32>, vector<16xi32> -> vector<16xi32>
    %broadcast_in_dim3A_85 = arith.constant 7 : i32
    %broadcast_in_dim3A_86 = vector.broadcast %broadcast_in_dim3A_85 : i32 to vector<16xi32>
    %lt3A_87 = arith.constant 0 : i32
    %lt3A_88 = vector.broadcast %lt3A_87 : i32 to vector<16xi32>
    %lt3A_89 = arith.cmpi slt, %broadcast_in_dim3A_86, %lt3A_88 : vector<16xi32>
    %add3A_90 = arith.constant 16 : i32
    %add3A_91 = vector.broadcast %add3A_90 : i32 to vector<16xi32>
    %add3A_92 = arith.addi %broadcast_in_dim3A_86, %add3A_91 : vector<16xi32>
    %select_n3A_93 = arith.select %lt3A_89, %add3A_92, %broadcast_in_dim3A_86 : vector<16xi1>, vector<16xi32>
    %broadcast_in_dim3A_94 = vector.shape_cast %select_n3A_93 : vector<16xi32> to vector<16x1xi32>
    %gather3A_95 = vector.shape_cast %broadcast_in_dim3A_94 : vector<16x1xi32> to vector<16xi32>
    %gather3A_96 = tpu.dynamic_gather %get3A_4[%gather3A_95] in [0] : vector<16xi32>, vector<16xi32> -> vector<16xi32>
    %broadcast_in_dim3A_97 = arith.constant 8 : i32
    %broadcast_in_dim3A_98 = vector.broadcast %broadcast_in_dim3A_97 : i32 to vector<16xi32>
    %lt3A_99 = arith.constant 0 : i32
    %lt3A_100 = vector.broadcast %lt3A_99 : i32 to vector<16xi32>
    %lt3A_101 = arith.cmpi slt, %broadcast_in_dim3A_98, %lt3A_100 : vector<16xi32>
    %add3A_102 = arith.constant 16 : i32
    %add3A_103 = vector.broadcast %add3A_102 : i32 to vector<16xi32>
    %add3A_104 = arith.addi %broadcast_in_dim3A_98, %add3A_103 : vector<16xi32>
    %select_n3A_105 = arith.select %lt3A_101, %add3A_104, %broadcast_in_dim3A_98 : vector<16xi1>, vector<16xi32>
    %broadcast_in_dim3A_106 = vector.shape_cast %select_n3A_105 : vector<16xi32> to vector<16x1xi32>
    %gather3A_107 = vector.shape_cast %broadcast_in_dim3A_106 : vector<16x1xi32> to vector<16xi32>
    %gather3A_108 = tpu.dynamic_gather %get3A_4[%gather3A_107] in [0] : vector<16xi32>, vector<16xi32> -> vector<16xi32>
    %broadcast_in_dim3A_109 = arith.constant 1 : i32
    %broadcast_in_dim3A_110 = vector.broadcast %broadcast_in_dim3A_109 : i32 to vector<16xi32>
    %broadcast_in_dim3A_111 = arith.constant 0 : i32
    %broadcast_in_dim3A_112 = vector.broadcast %broadcast_in_dim3A_111 : i32 to vector<16xi32>
    %add3A_113 = arith.constant 0 : i32
    %add3A_114 = arith.addi %mul3A_2, %add3A_113 : i32
    %iota3A = tpu.iota {dimensions = array<i32: 0>} : vector<16xi32>
    %add3A_115 = vector.broadcast %add3A_114 : i32 to vector<16xi32>
    %add3A_116 = arith.addi %add3A_115, %iota3A : vector<16xi32>
    %ge3A = arith.cmpi sge, %add3A_116, %gather3A_24 : vector<16xi32>
    %select_n3A_117 = arith.select %ge3A, %broadcast_in_dim3A_110, %broadcast_in_dim3A_112 : vector<16xi1>, vector<16xi32>
    %add3A_118 = arith.addi %broadcast_in_dim3A_112, %select_n3A_117 : vector<16xi32>
    %ge3A_119 = arith.cmpi sge, %add3A_116, %gather3A_36 : vector<16xi32>
    %select_n3A_120 = arith.select %ge3A_119, %broadcast_in_dim3A_110, %broadcast_in_dim3A_112 : vector<16xi1>, vector<16xi32>
    %add3A_121 = arith.addi %add3A_118, %select_n3A_120 : vector<16xi32>
    %ge3A_122 = arith.cmpi sge, %add3A_116, %gather3A_48 : vector<16xi32>
    %select_n3A_123 = arith.select %ge3A_122, %broadcast_in_dim3A_110, %broadcast_in_dim3A_112 : vector<16xi1>, vector<16xi32>
    %add3A_124 = arith.addi %add3A_121, %select_n3A_123 : vector<16xi32>
    %ge3A_125 = arith.cmpi sge, %add3A_116, %gather3A_60 : vector<16xi32>
    %select_n3A_126 = arith.select %ge3A_125, %broadcast_in_dim3A_110, %broadcast_in_dim3A_112 : vector<16xi1>, vector<16xi32>
    %add3A_127 = arith.addi %add3A_124, %select_n3A_126 : vector<16xi32>
    %ge3A_128 = arith.cmpi sge, %add3A_116, %gather3A_72 : vector<16xi32>
    %select_n3A_129 = arith.select %ge3A_128, %broadcast_in_dim3A_110, %broadcast_in_dim3A_112 : vector<16xi1>, vector<16xi32>
    %add3A_130 = arith.addi %add3A_127, %select_n3A_129 : vector<16xi32>
    %ge3A_131 = arith.cmpi sge, %add3A_116, %gather3A_84 : vector<16xi32>
    %select_n3A_132 = arith.select %ge3A_131, %broadcast_in_dim3A_110, %broadcast_in_dim3A_112 : vector<16xi1>, vector<16xi32>
    %add3A_133 = arith.addi %add3A_130, %select_n3A_132 : vector<16xi32>
    %ge3A_134 = arith.cmpi sge, %add3A_116, %gather3A_96 : vector<16xi32>
    %select_n3A_135 = arith.select %ge3A_134, %broadcast_in_dim3A_110, %broadcast_in_dim3A_112 : vector<16xi1>, vector<16xi32>
    %add3A_136 = arith.addi %add3A_133, %select_n3A_135 : vector<16xi32>
    %ge3A_137 = arith.cmpi sge, %add3A_116, %gather3A_108 : vector<16xi32>
    %select_n3A_138 = arith.select %ge3A_137, %broadcast_in_dim3A_110, %broadcast_in_dim3A_112 : vector<16xi1>, vector<16xi32>
    %add3A_139 = arith.addi %add3A_136, %select_n3A_138 : vector<16xi32>
    %lt3A_140 = arith.constant 0 : i32
    %lt3A_141 = vector.broadcast %lt3A_140 : i32 to vector<16xi32>
    %lt3A_142 = arith.cmpi slt, %add3A_139, %lt3A_141 : vector<16xi32>
    %add3A_143 = arith.constant 16 : i32
    %add3A_144 = vector.broadcast %add3A_143 : i32 to vector<16xi32>
    %add3A_145 = arith.addi %add3A_139, %add3A_144 : vector<16xi32>
    %select_n3A_146 = arith.select %lt3A_142, %add3A_145, %add3A_139 : vector<16xi1>, vector<16xi32>
    %broadcast_in_dim3A_147 = vector.shape_cast %select_n3A_146 : vector<16xi32> to vector<16x1xi32>
    %gather3A_148 = vector.shape_cast %broadcast_in_dim3A_147 : vector<16x1xi32> to vector<16xi32>
    %gather3A_149 = tpu.dynamic_gather %get3A_4[%gather3A_148] in [0] : vector<16xi32>, vector<16xi32> -> vector<16xi32>
    %sub3A = arith.subi %add3A_116, %gather3A_149 : vector<16xi32>
    %swap3A = arith.constant 0 : i32
    %swap3A_150 = arith.index_cast %swap3A : i32 to index
    %swap3A_151 = arith.constant 0 : index
    %swap3A_152 = tpu.vector_load %arg6[%swap3A_150, %swap3A_151] {strides = array<i32>} : memref<2x128xi32, #tpu.memory_space<vmem>>, vector<1x16xi32>,
    %swap3A_153 = vector.shape_cast %swap3A_152 : vector<1x16xi32> to vector<16xi32>
    %swap3A_154 = vector.shape_cast %sub3A : vector<16xi32> to vector<1x16xi32>
    tpu.vector_store %arg6[%swap3A_150, %swap3A_151], %swap3A_154 {strides = array<i32>} : memref<2x128xi32, #tpu.memory_space<vmem>>, vector<1x16xi32>,
    %add3A_155 = arith.constant 16 : i32
    %add3A_156 = arith.addi %mul3A_2, %add3A_155 : i32
    %iota3A_157 = tpu.iota {dimensions = array<i32: 0>} : vector<16xi32>
    %add3A_158 = vector.broadcast %add3A_156 : i32 to vector<16xi32>
    %add3A_159 = arith.addi %add3A_158, %iota3A_157 : vector<16xi32>
    %ge3A_160 = arith.cmpi sge, %add3A_159, %gather3A_24 : vector<16xi32>
    %select_n3A_161 = arith.select %ge3A_160, %broadcast_in_dim3A_110, %broadcast_in_dim3A_112 : vector<16xi1>, vector<16xi32>
    %add3A_162 = arith.addi %broadcast_in_dim3A_112, %select_n3A_161 : vector<16xi32>
    %ge3A_163 = arith.cmpi sge, %add3A_159, %gather3A_36 : vector<16xi32>
    %select_n3A_164 = arith.select %ge3A_163, %broadcast_in_dim3A_110, %broadcast_in_dim3A_112 : vector<16xi1>, vector<16xi32>
    %add3A_165 = arith.addi %add3A_162, %select_n3A_164 : vector<16xi32>
    %ge3A_166 = arith.cmpi sge, %add3A_159, %gather3A_48 : vector<16xi32>
    %select_n3A_167 = arith.select %ge3A_166, %broadcast_in_dim3A_110, %broadcast_in_dim3A_112 : vector<16xi1>, vector<16xi32>
    %add3A_168 = arith.addi %add3A_165, %select_n3A_167 : vector<16xi32>
    %ge3A_169 = arith.cmpi sge, %add3A_159, %gather3A_60 : vector<16xi32>
    %select_n3A_170 = arith.select %ge3A_169, %broadcast_in_dim3A_110, %broadcast_in_dim3A_112 : vector<16xi1>, vector<16xi32>
    %add3A_171 = arith.addi %add3A_168, %select_n3A_170 : vector<16xi32>
    %ge3A_172 = arith.cmpi sge, %add3A_159, %gather3A_72 : vector<16xi32>
    %select_n3A_173 = arith.select %ge3A_172, %broadcast_in_dim3A_110, %broadcast_in_dim3A_112 : vector<16xi1>, vector<16xi32>
    %add3A_174 = arith.addi %add3A_171, %select_n3A_173 : vector<16xi32>
    %ge3A_175 = arith.cmpi sge, %add3A_159, %gather3A_84 : vector<16xi32>
    %select_n3A_176 = arith.select %ge3A_175, %broadcast_in_dim3A_110, %broadcast_in_dim3A_112 : vector<16xi1>, vector<16xi32>
    %add3A_177 = arith.addi %add3A_174, %select_n3A_176 : vector<16xi32>
    %ge3A_178 = arith.cmpi sge, %add3A_159, %gather3A_96 : vector<16xi32>
    %select_n3A_179 = arith.select %ge3A_178, %broadcast_in_dim3A_110, %broadcast_in_dim3A_112 : vector<16xi1>, vector<16xi32>
    %add3A_180 = arith.addi %add3A_177, %select_n3A_179 : vector<16xi32>
    %ge3A_181 = arith.cmpi sge, %add3A_159, %gather3A_108 : vector<16xi32>
    %select_n3A_182 = arith.select %ge3A_181, %broadcast_in_dim3A_110, %broadcast_in_dim3A_112 : vector<16xi1>, vector<16xi32>
    %add3A_183 = arith.addi %add3A_180, %select_n3A_182 : vector<16xi32>
    %lt3A_184 = arith.constant 0 : i32
    %lt3A_185 = vector.broadcast %lt3A_184 : i32 to vector<16xi32>
    %lt3A_186 = arith.cmpi slt, %add3A_183, %lt3A_185 : vector<16xi32>
    %add3A_187 = arith.constant 16 : i32
    %add3A_188 = vector.broadcast %add3A_187 : i32 to vector<16xi32>
    %add3A_189 = arith.addi %add3A_183, %add3A_188 : vector<16xi32>
    %select_n3A_190 = arith.select %lt3A_186, %add3A_189, %add3A_183 : vector<16xi1>, vector<16xi32>
    %broadcast_in_dim3A_191 = vector.shape_cast %select_n3A_190 : vector<16xi32> to vector<16x1xi32>
    %gather3A_192 = vector.shape_cast %broadcast_in_dim3A_191 : vector<16x1xi32> to vector<16xi32>
    %gather3A_193 = tpu.dynamic_gather %get3A_4[%gather3A_192] in [0] : vector<16xi32>, vector<16xi32> -> vector<16xi32>
    %sub3A_194 = arith.subi %add3A_159, %gather3A_193 : vector<16xi32>
    %swap3A_195 = arith.constant 0 : i32
    %swap3A_196 = arith.index_cast %swap3A_195 : i32 to index
    %swap3A_197 = arith.constant 16 : index
    %swap3A_198 = tpu.vector_load %arg6[%swap3A_196, %swap3A_197] {strides = array<i32>} : memref<2x128xi32, #tpu.memory_space<vmem>>, vector<1x16xi32>,
    %swap3A_199 = vector.shape_cast %swap3A_198 : vector<1x16xi32> to vector<16xi32>
    %swap3A_200 = vector.shape_cast %sub3A_194 : vector<16xi32> to vector<1x16xi32>
    tpu.vector_store %arg6[%swap3A_196, %swap3A_197], %swap3A_200 {strides = array<i32>} : memref<2x128xi32, #tpu.memory_space<vmem>>, vector<1x16xi32>,
    %add3A_201 = arith.constant 32 : i32
    %add3A_202 = arith.addi %mul3A_2, %add3A_201 : i32
    %iota3A_203 = tpu.iota {dimensions = array<i32: 0>} : vector<16xi32>
    %add3A_204 = vector.broadcast %add3A_202 : i32 to vector<16xi32>
    %add3A_205 = arith.addi %add3A_204, %iota3A_203 : vector<16xi32>
    %ge3A_206 = arith.cmpi sge, %add3A_205, %gather3A_24 : vector<16xi32>
    %select_n3A_207 = arith.select %ge3A_206, %broadcast_in_dim3A_110, %broadcast_in_dim3A_112 : vector<16xi1>, vector<16xi32>
    %add3A_208 = arith.addi %broadcast_in_dim3A_112, %select_n3A_207 : vector<16xi32>
    %ge3A_209 = arith.cmpi sge, %add3A_205, %gather3A_36 : vector<16xi32>
    %select_n3A_210 = arith.select %ge3A_209, %broadcast_in_dim3A_110, %broadcast_in_dim3A_112 : vector<16xi1>, vector<16xi32>
    %add3A_211 = arith.addi %add3A_208, %select_n3A_210 : vector<16xi32>
    %ge3A_212 = arith.cmpi sge, %add3A_205, %gather3A_48 : vector<16xi32>
    %select_n3A_213 = arith.select %ge3A_212, %broadcast_in_dim3A_110, %broadcast_in_dim3A_112 : vector<16xi1>, vector<16xi32>
    %add3A_214 = arith.addi %add3A_211, %select_n3A_213 : vector<16xi32>
    %ge3A_215 = arith.cmpi sge, %add3A_205, %gather3A_60 : vector<16xi32>
    %select_n3A_216 = arith.select %ge3A_215, %broadcast_in_dim3A_110, %broadcast_in_dim3A_112 : vector<16xi1>, vector<16xi32>
    %add3A_217 = arith.addi %add3A_214, %select_n3A_216 : vector<16xi32>
    %ge3A_218 = arith.cmpi sge, %add3A_205, %gather3A_72 : vector<16xi32>
    %select_n3A_219 = arith.select %ge3A_218, %broadcast_in_dim3A_110, %broadcast_in_dim3A_112 : vector<16xi1>, vector<16xi32>
    %add3A_220 = arith.addi %add3A_217, %select_n3A_219 : vector<16xi32>
    %ge3A_221 = arith.cmpi sge, %add3A_205, %gather3A_84 : vector<16xi32>
    %select_n3A_222 = arith.select %ge3A_221, %broadcast_in_dim3A_110, %broadcast_in_dim3A_112 : vector<16xi1>, vector<16xi32>
    %add3A_223 = arith.addi %add3A_220, %select_n3A_222 : vector<16xi32>
    %ge3A_224 = arith.cmpi sge, %add3A_205, %gather3A_96 : vector<16xi32>
    %select_n3A_225 = arith.select %ge3A_224, %broadcast_in_dim3A_110, %broadcast_in_dim3A_112 : vector<16xi1>, vector<16xi32>
    %add3A_226 = arith.addi %add3A_223, %select_n3A_225 : vector<16xi32>
    %ge3A_227 = arith.cmpi sge, %add3A_205, %gather3A_108 : vector<16xi32>
    %select_n3A_228 = arith.select %ge3A_227, %broadcast_in_dim3A_110, %broadcast_in_dim3A_112 : vector<16xi1>, vector<16xi32>
    %add3A_229 = arith.addi %add3A_226, %select_n3A_228 : vector<16xi32>
    %lt3A_230 = arith.constant 0 : i32
    %lt3A_231 = vector.broadcast %lt3A_230 : i32 to vector<16xi32>
    %lt3A_232 = arith.cmpi slt, %add3A_229, %lt3A_231 : vector<16xi32>
    %add3A_233 = arith.constant 16 : i32
    %add3A_234 = vector.broadcast %add3A_233 : i32 to vector<16xi32>
    %add3A_235 = arith.addi %add3A_229, %add3A_234 : vector<16xi32>
    %select_n3A_236 = arith.select %lt3A_232, %add3A_235, %add3A_229 : vector<16xi1>, vector<16xi32>
    %broadcast_in_dim3A_237 = vector.shape_cast %select_n3A_236 : vector<16xi32> to vector<16x1xi32>
    %gather3A_238 = vector.shape_cast %broadcast_in_dim3A_237 : vector<16x1xi32> to vector<16xi32>
    %gather3A_239 = tpu.dynamic_gather %get3A_4[%gather3A_238] in [0] : vector<16xi32>, vector<16xi32> -> vector<16xi32>
    %sub3A_240 = arith.subi %add3A_205, %gather3A_239 : vector<16xi32>
    %swap3A_241 = arith.constant 0 : i32
    %swap3A_242 = arith.index_cast %swap3A_241 : i32 to index
    %swap3A_243 = arith.constant 32 : index
    %swap3A_244 = tpu.vector_load %arg6[%swap3A_242, %swap3A_243] {strides = array<i32>} : memref<2x128xi32, #tpu.memory_space<vmem>>, vector<1x16xi32>,
    %swap3A_245 = vector.shape_cast %swap3A_244 : vector<1x16xi32> to vector<16xi32>
    %swap3A_246 = vector.shape_cast %sub3A_240 : vector<16xi32> to vector<1x16xi32>
    tpu.vector_store %arg6[%swap3A_242, %swap3A_243], %swap3A_246 {strides = array<i32>} : memref<2x128xi32, #tpu.memory_space<vmem>>, vector<1x16xi32>,
    %add3A_247 = arith.constant 48 : i32
    %add3A_248 = arith.addi %mul3A_2, %add3A_247 : i32
    %iota3A_249 = tpu.iota {dimensions = array<i32: 0>} : vector<16xi32>
    %add3A_250 = vector.broadcast %add3A_248 : i32 to vector<16xi32>
    %add3A_251 = arith.addi %add3A_250, %iota3A_249 : vector<16xi32>
    %ge3A_252 = arith.cmpi sge, %add3A_251, %gather3A_24 : vector<16xi32>
    %select_n3A_253 = arith.select %ge3A_252, %broadcast_in_dim3A_110, %broadcast_in_dim3A_112 : vector<16xi1>, vector<16xi32>
    %add3A_254 = arith.addi %broadcast_in_dim3A_112, %select_n3A_253 : vector<16xi32>
    %ge3A_255 = arith.cmpi sge, %add3A_251, %gather3A_36 : vector<16xi32>
    %select_n3A_256 = arith.select %ge3A_255, %broadcast_in_dim3A_110, %broadcast_in_dim3A_112 : vector<16xi1>, vector<16xi32>
    %add3A_257 = arith.addi %add3A_254, %select_n3A_256 : vector<16xi32>
    %ge3A_258 = arith.cmpi sge, %add3A_251, %gather3A_48 : vector<16xi32>
    %select_n3A_259 = arith.select %ge3A_258, %broadcast_in_dim3A_110, %broadcast_in_dim3A_112 : vector<16xi1>, vector<16xi32>
    %add3A_260 = arith.addi %add3A_257, %select_n3A_259 : vector<16xi32>
    %ge3A_261 = arith.cmpi sge, %add3A_251, %gather3A_60 : vector<16xi32>
    %select_n3A_262 = arith.select %ge3A_261, %broadcast_in_dim3A_110, %broadcast_in_dim3A_112 : vector<16xi1>, vector<16xi32>
    %add3A_263 = arith.addi %add3A_260, %select_n3A_262 : vector<16xi32>
    %ge3A_264 = arith.cmpi sge, %add3A_251, %gather3A_72 : vector<16xi32>
    %select_n3A_265 = arith.select %ge3A_264, %broadcast_in_dim3A_110, %broadcast_in_dim3A_112 : vector<16xi1>, vector<16xi32>
    %add3A_266 = arith.addi %add3A_263, %select_n3A_265 : vector<16xi32>
    %ge3A_267 = arith.cmpi sge, %add3A_251, %gather3A_84 : vector<16xi32>
    %select_n3A_268 = arith.select %ge3A_267, %broadcast_in_dim3A_110, %broadcast_in_dim3A_112 : vector<16xi1>, vector<16xi32>
    %add3A_269 = arith.addi %add3A_266, %select_n3A_268 : vector<16xi32>
    %ge3A_270 = arith.cmpi sge, %add3A_251, %gather3A_96 : vector<16xi32>
    %select_n3A_271 = arith.select %ge3A_270, %broadcast_in_dim3A_110, %broadcast_in_dim3A_112 : vector<16xi1>, vector<16xi32>
    %add3A_272 = arith.addi %add3A_269, %select_n3A_271 : vector<16xi32>
    %ge3A_273 = arith.cmpi sge, %add3A_251, %gather3A_108 : vector<16xi32>
    %select_n3A_274 = arith.select %ge3A_273, %broadcast_in_dim3A_110, %broadcast_in_dim3A_112 : vector<16xi1>, vector<16xi32>
    %add3A_275 = arith.addi %add3A_272, %select_n3A_274 : vector<16xi32>
    %lt3A_276 = arith.constant 0 : i32
    %lt3A_277 = vector.broadcast %lt3A_276 : i32 to vector<16xi32>
    %lt3A_278 = arith.cmpi slt, %add3A_275, %lt3A_277 : vector<16xi32>
    %add3A_279 = arith.constant 16 : i32
    %add3A_280 = vector.broadcast %add3A_279 : i32 to vector<16xi32>
    %add3A_281 = arith.addi %add3A_275, %add3A_280 : vector<16xi32>
    %select_n3A_282 = arith.select %lt3A_278, %add3A_281, %add3A_275 : vector<16xi1>, vector<16xi32>
    %broadcast_in_dim3A_283 = vector.shape_cast %select_n3A_282 : vector<16xi32> to vector<16x1xi32>
    %gather3A_284 = vector.shape_cast %broadcast_in_dim3A_283 : vector<16x1xi32> to vector<16xi32>
    %gather3A_285 = tpu.dynamic_gather %get3A_4[%gather3A_284] in [0] : vector<16xi32>, vector<16xi32> -> vector<16xi32>
    %sub3A_286 = arith.subi %add3A_251, %gather3A_285 : vector<16xi32>
    %swap3A_287 = arith.constant 0 : i32
    %swap3A_288 = arith.index_cast %swap3A_287 : i32 to index
    %swap3A_289 = arith.constant 48 : index
    %swap3A_290 = tpu.vector_load %arg6[%swap3A_288, %swap3A_289] {strides = array<i32>} : memref<2x128xi32, #tpu.memory_space<vmem>>, vector<1x16xi32>,
    %swap3A_291 = vector.shape_cast %swap3A_290 : vector<1x16xi32> to vector<16xi32>
    %swap3A_292 = vector.shape_cast %sub3A_286 : vector<16xi32> to vector<1x16xi32>
    tpu.vector_store %arg6[%swap3A_288, %swap3A_289], %swap3A_292 {strides = array<i32>} : memref<2x128xi32, #tpu.memory_space<vmem>>, vector<1x16xi32>,
    %add3A_293 = arith.constant 64 : i32
    %add3A_294 = arith.addi %mul3A_2, %add3A_293 : i32
    %iota3A_295 = tpu.iota {dimensions = array<i32: 0>} : vector<16xi32>
    %add3A_296 = vector.broadcast %add3A_294 : i32 to vector<16xi32>
    %add3A_297 = arith.addi %add3A_296, %iota3A_295 : vector<16xi32>
    %ge3A_298 = arith.cmpi sge, %add3A_297, %gather3A_24 : vector<16xi32>
    %select_n3A_299 = arith.select %ge3A_298, %broadcast_in_dim3A_110, %broadcast_in_dim3A_112 : vector<16xi1>, vector<16xi32>
    %add3A_300 = arith.addi %broadcast_in_dim3A_112, %select_n3A_299 : vector<16xi32>
    %ge3A_301 = arith.cmpi sge, %add3A_297, %gather3A_36 : vector<16xi32>
    %select_n3A_302 = arith.select %ge3A_301, %broadcast_in_dim3A_110, %broadcast_in_dim3A_112 : vector<16xi1>, vector<16xi32>
    %add3A_303 = arith.addi %add3A_300, %select_n3A_302 : vector<16xi32>
    %ge3A_304 = arith.cmpi sge, %add3A_297, %gather3A_48 : vector<16xi32>
    %select_n3A_305 = arith.select %ge3A_304, %broadcast_in_dim3A_110, %broadcast_in_dim3A_112 : vector<16xi1>, vector<16xi32>
    %add3A_306 = arith.addi %add3A_303, %select_n3A_305 : vector<16xi32>
    %ge3A_307 = arith.cmpi sge, %add3A_297, %gather3A_60 : vector<16xi32>
    %select_n3A_308 = arith.select %ge3A_307, %broadcast_in_dim3A_110, %broadcast_in_dim3A_112 : vector<16xi1>, vector<16xi32>
    %add3A_309 = arith.addi %add3A_306, %select_n3A_308 : vector<16xi32>
    %ge3A_310 = arith.cmpi sge, %add3A_297, %gather3A_72 : vector<16xi32>
    %select_n3A_311 = arith.select %ge3A_310, %broadcast_in_dim3A_110, %broadcast_in_dim3A_112 : vector<16xi1>, vector<16xi32>
    %add3A_312 = arith.addi %add3A_309, %select_n3A_311 : vector<16xi32>
    %ge3A_313 = arith.cmpi sge, %add3A_297, %gather3A_84 : vector<16xi32>
    %select_n3A_314 = arith.select %ge3A_313, %broadcast_in_dim3A_110, %broadcast_in_dim3A_112 : vector<16xi1>, vector<16xi32>
    %add3A_315 = arith.addi %add3A_312, %select_n3A_314 : vector<16xi32>
    %ge3A_316 = arith.cmpi sge, %add3A_297, %gather3A_96 : vector<16xi32>
    %select_n3A_317 = arith.select %ge3A_316, %broadcast_in_dim3A_110, %broadcast_in_dim3A_112 : vector<16xi1>, vector<16xi32>
    %add3A_318 = arith.addi %add3A_315, %select_n3A_317 : vector<16xi32>
    %ge3A_319 = arith.cmpi sge, %add3A_297, %gather3A_108 : vector<16xi32>
    %select_n3A_320 = arith.select %ge3A_319, %broadcast_in_dim3A_110, %broadcast_in_dim3A_112 : vector<16xi1>, vector<16xi32>
    %add3A_321 = arith.addi %add3A_318, %select_n3A_320 : vector<16xi32>
    %lt3A_322 = arith.constant 0 : i32
    %lt3A_323 = vector.broadcast %lt3A_322 : i32 to vector<16xi32>
    %lt3A_324 = arith.cmpi slt, %add3A_321, %lt3A_323 : vector<16xi32>
    %add3A_325 = arith.constant 16 : i32
    %add3A_326 = vector.broadcast %add3A_325 : i32 to vector<16xi32>
    %add3A_327 = arith.addi %add3A_321, %add3A_326 : vector<16xi32>
    %select_n3A_328 = arith.select %lt3A_324, %add3A_327, %add3A_321 : vector<16xi1>, vector<16xi32>
    %broadcast_in_dim3A_329 = vector.shape_cast %select_n3A_328 : vector<16xi32> to vector<16x1xi32>
    %gather3A_330 = vector.shape_cast %broadcast_in_dim3A_329 : vector<16x1xi32> to vector<16xi32>
    %gather3A_331 = tpu.dynamic_gather %get3A_4[%gather3A_330] in [0] : vector<16xi32>, vector<16xi32> -> vector<16xi32>
    %sub3A_332 = arith.subi %add3A_297, %gather3A_331 : vector<16xi32>
    %swap3A_333 = arith.constant 0 : i32
    %swap3A_334 = arith.index_cast %swap3A_333 : i32 to index
    %swap3A_335 = arith.constant 64 : index
    %swap3A_336 = tpu.vector_load %arg6[%swap3A_334, %swap3A_335] {strides = array<i32>} : memref<2x128xi32, #tpu.memory_space<vmem>>, vector<1x16xi32>,
    %swap3A_337 = vector.shape_cast %swap3A_336 : vector<1x16xi32> to vector<16xi32>
    %swap3A_338 = vector.shape_cast %sub3A_332 : vector<16xi32> to vector<1x16xi32>
    tpu.vector_store %arg6[%swap3A_334, %swap3A_335], %swap3A_338 {strides = array<i32>} : memref<2x128xi32, #tpu.memory_space<vmem>>, vector<1x16xi32>,
    %add3A_339 = arith.constant 80 : i32
    %add3A_340 = arith.addi %mul3A_2, %add3A_339 : i32
    %iota3A_341 = tpu.iota {dimensions = array<i32: 0>} : vector<16xi32>
    %add3A_342 = vector.broadcast %add3A_340 : i32 to vector<16xi32>
    %add3A_343 = arith.addi %add3A_342, %iota3A_341 : vector<16xi32>
    %ge3A_344 = arith.cmpi sge, %add3A_343, %gather3A_24 : vector<16xi32>
    %select_n3A_345 = arith.select %ge3A_344, %broadcast_in_dim3A_110, %broadcast_in_dim3A_112 : vector<16xi1>, vector<16xi32>
    %add3A_346 = arith.addi %broadcast_in_dim3A_112, %select_n3A_345 : vector<16xi32>
    %ge3A_347 = arith.cmpi sge, %add3A_343, %gather3A_36 : vector<16xi32>
    %select_n3A_348 = arith.select %ge3A_347, %broadcast_in_dim3A_110, %broadcast_in_dim3A_112 : vector<16xi1>, vector<16xi32>
    %add3A_349 = arith.addi %add3A_346, %select_n3A_348 : vector<16xi32>
    %ge3A_350 = arith.cmpi sge, %add3A_343, %gather3A_48 : vector<16xi32>
    %select_n3A_351 = arith.select %ge3A_350, %broadcast_in_dim3A_110, %broadcast_in_dim3A_112 : vector<16xi1>, vector<16xi32>
    %add3A_352 = arith.addi %add3A_349, %select_n3A_351 : vector<16xi32>
    %ge3A_353 = arith.cmpi sge, %add3A_343, %gather3A_60 : vector<16xi32>
    %select_n3A_354 = arith.select %ge3A_353, %broadcast_in_dim3A_110, %broadcast_in_dim3A_112 : vector<16xi1>, vector<16xi32>
    %add3A_355 = arith.addi %add3A_352, %select_n3A_354 : vector<16xi32>
    %ge3A_356 = arith.cmpi sge, %add3A_343, %gather3A_72 : vector<16xi32>
    %select_n3A_357 = arith.select %ge3A_356, %broadcast_in_dim3A_110, %broadcast_in_dim3A_112 : vector<16xi1>, vector<16xi32>
    %add3A_358 = arith.addi %add3A_355, %select_n3A_357 : vector<16xi32>
    %ge3A_359 = arith.cmpi sge, %add3A_343, %gather3A_84 : vector<16xi32>
    %select_n3A_360 = arith.select %ge3A_359, %broadcast_in_dim3A_110, %broadcast_in_dim3A_112 : vector<16xi1>, vector<16xi32>
    %add3A_361 = arith.addi %add3A_358, %select_n3A_360 : vector<16xi32>
    %ge3A_362 = arith.cmpi sge, %add3A_343, %gather3A_96 : vector<16xi32>
    %select_n3A_363 = arith.select %ge3A_362, %broadcast_in_dim3A_110, %broadcast_in_dim3A_112 : vector<16xi1>, vector<16xi32>
    %add3A_364 = arith.addi %add3A_361, %select_n3A_363 : vector<16xi32>
    %ge3A_365 = arith.cmpi sge, %add3A_343, %gather3A_108 : vector<16xi32>
    %select_n3A_366 = arith.select %ge3A_365, %broadcast_in_dim3A_110, %broadcast_in_dim3A_112 : vector<16xi1>, vector<16xi32>
    %add3A_367 = arith.addi %add3A_364, %select_n3A_366 : vector<16xi32>
    %lt3A_368 = arith.constant 0 : i32
    %lt3A_369 = vector.broadcast %lt3A_368 : i32 to vector<16xi32>
    %lt3A_370 = arith.cmpi slt, %add3A_367, %lt3A_369 : vector<16xi32>
    %add3A_371 = arith.constant 16 : i32
    %add3A_372 = vector.broadcast %add3A_371 : i32 to vector<16xi32>
    %add3A_373 = arith.addi %add3A_367, %add3A_372 : vector<16xi32>
    %select_n3A_374 = arith.select %lt3A_370, %add3A_373, %add3A_367 : vector<16xi1>, vector<16xi32>
    %broadcast_in_dim3A_375 = vector.shape_cast %select_n3A_374 : vector<16xi32> to vector<16x1xi32>
    %gather3A_376 = vector.shape_cast %broadcast_in_dim3A_375 : vector<16x1xi32> to vector<16xi32>
    %gather3A_377 = tpu.dynamic_gather %get3A_4[%gather3A_376] in [0] : vector<16xi32>, vector<16xi32> -> vector<16xi32>
    %sub3A_378 = arith.subi %add3A_343, %gather3A_377 : vector<16xi32>
    %swap3A_379 = arith.constant 0 : i32
    %swap3A_380 = arith.index_cast %swap3A_379 : i32 to index
    %swap3A_381 = arith.constant 80 : index
    %swap3A_382 = tpu.vector_load %arg6[%swap3A_380, %swap3A_381] {strides = array<i32>} : memref<2x128xi32, #tpu.memory_space<vmem>>, vector<1x16xi32>,
    %swap3A_383 = vector.shape_cast %swap3A_382 : vector<1x16xi32> to vector<16xi32>
    %swap3A_384 = vector.shape_cast %sub3A_378 : vector<16xi32> to vector<1x16xi32>
    tpu.vector_store %arg6[%swap3A_380, %swap3A_381], %swap3A_384 {strides = array<i32>} : memref<2x128xi32, #tpu.memory_space<vmem>>, vector<1x16xi32>,
    %add3A_385 = arith.constant 96 : i32
    %add3A_386 = arith.addi %mul3A_2, %add3A_385 : i32
    %iota3A_387 = tpu.iota {dimensions = array<i32: 0>} : vector<16xi32>
    %add3A_388 = vector.broadcast %add3A_386 : i32 to vector<16xi32>
    %add3A_389 = arith.addi %add3A_388, %iota3A_387 : vector<16xi32>
    %ge3A_390 = arith.cmpi sge, %add3A_389, %gather3A_24 : vector<16xi32>
    %select_n3A_391 = arith.select %ge3A_390, %broadcast_in_dim3A_110, %broadcast_in_dim3A_112 : vector<16xi1>, vector<16xi32>
    %add3A_392 = arith.addi %broadcast_in_dim3A_112, %select_n3A_391 : vector<16xi32>
    %ge3A_393 = arith.cmpi sge, %add3A_389, %gather3A_36 : vector<16xi32>
    %select_n3A_394 = arith.select %ge3A_393, %broadcast_in_dim3A_110, %broadcast_in_dim3A_112 : vector<16xi1>, vector<16xi32>
    %add3A_395 = arith.addi %add3A_392, %select_n3A_394 : vector<16xi32>
    %ge3A_396 = arith.cmpi sge, %add3A_389, %gather3A_48 : vector<16xi32>
    %select_n3A_397 = arith.select %ge3A_396, %broadcast_in_dim3A_110, %broadcast_in_dim3A_112 : vector<16xi1>, vector<16xi32>
    %add3A_398 = arith.addi %add3A_395, %select_n3A_397 : vector<16xi32>
    %ge3A_399 = arith.cmpi sge, %add3A_389, %gather3A_60 : vector<16xi32>
    %select_n3A_400 = arith.select %ge3A_399, %broadcast_in_dim3A_110, %broadcast_in_dim3A_112 : vector<16xi1>, vector<16xi32>
    %add3A_401 = arith.addi %add3A_398, %select_n3A_400 : vector<16xi32>
    %ge3A_402 = arith.cmpi sge, %add3A_389, %gather3A_72 : vector<16xi32>
    %select_n3A_403 = arith.select %ge3A_402, %broadcast_in_dim3A_110, %broadcast_in_dim3A_112 : vector<16xi1>, vector<16xi32>
    %add3A_404 = arith.addi %add3A_401, %select_n3A_403 : vector<16xi32>
    %ge3A_405 = arith.cmpi sge, %add3A_389, %gather3A_84 : vector<16xi32>
    %select_n3A_406 = arith.select %ge3A_405, %broadcast_in_dim3A_110, %broadcast_in_dim3A_112 : vector<16xi1>, vector<16xi32>
    %add3A_407 = arith.addi %add3A_404, %select_n3A_406 : vector<16xi32>
    %ge3A_408 = arith.cmpi sge, %add3A_389, %gather3A_96 : vector<16xi32>
    %select_n3A_409 = arith.select %ge3A_408, %broadcast_in_dim3A_110, %broadcast_in_dim3A_112 : vector<16xi1>, vector<16xi32>
    %add3A_410 = arith.addi %add3A_407, %select_n3A_409 : vector<16xi32>
    %ge3A_411 = arith.cmpi sge, %add3A_389, %gather3A_108 : vector<16xi32>
    %select_n3A_412 = arith.select %ge3A_411, %broadcast_in_dim3A_110, %broadcast_in_dim3A_112 : vector<16xi1>, vector<16xi32>
    %add3A_413 = arith.addi %add3A_410, %select_n3A_412 : vector<16xi32>
    %lt3A_414 = arith.constant 0 : i32
    %lt3A_415 = vector.broadcast %lt3A_414 : i32 to vector<16xi32>
    %lt3A_416 = arith.cmpi slt, %add3A_413, %lt3A_415 : vector<16xi32>
    %add3A_417 = arith.constant 16 : i32
    %add3A_418 = vector.broadcast %add3A_417 : i32 to vector<16xi32>
    %add3A_419 = arith.addi %add3A_413, %add3A_418 : vector<16xi32>
    %select_n3A_420 = arith.select %lt3A_416, %add3A_419, %add3A_413 : vector<16xi1>, vector<16xi32>
    %broadcast_in_dim3A_421 = vector.shape_cast %select_n3A_420 : vector<16xi32> to vector<16x1xi32>
    %gather3A_422 = vector.shape_cast %broadcast_in_dim3A_421 : vector<16x1xi32> to vector<16xi32>
    %gather3A_423 = tpu.dynamic_gather %get3A_4[%gather3A_422] in [0] : vector<16xi32>, vector<16xi32> -> vector<16xi32>
    %sub3A_424 = arith.subi %add3A_389, %gather3A_423 : vector<16xi32>
    %swap3A_425 = arith.constant 0 : i32
    %swap3A_426 = arith.index_cast %swap3A_425 : i32 to index
    %swap3A_427 = arith.constant 96 : index
    %swap3A_428 = tpu.vector_load %arg6[%swap3A_426, %swap3A_427] {strides = array<i32>} : memref<2x128xi32, #tpu.memory_space<vmem>>, vector<1x16xi32>,
    %swap3A_429 = vector.shape_cast %swap3A_428 : vector<1x16xi32> to vector<16xi32>
    %swap3A_430 = vector.shape_cast %sub3A_424 : vector<16xi32> to vector<1x16xi32>
    tpu.vector_store %arg6[%swap3A_426, %swap3A_427], %swap3A_430 {strides = array<i32>} : memref<2x128xi32, #tpu.memory_space<vmem>>, vector<1x16xi32>,
    %add3A_431 = arith.constant 112 : i32
    %add3A_432 = arith.addi %mul3A_2, %add3A_431 : i32
    %iota3A_433 = tpu.iota {dimensions = array<i32: 0>} : vector<16xi32>
    %add3A_434 = vector.broadcast %add3A_432 : i32 to vector<16xi32>
    %add3A_435 = arith.addi %add3A_434, %iota3A_433 : vector<16xi32>
    %ge3A_436 = arith.cmpi sge, %add3A_435, %gather3A_24 : vector<16xi32>
    %select_n3A_437 = arith.select %ge3A_436, %broadcast_in_dim3A_110, %broadcast_in_dim3A_112 : vector<16xi1>, vector<16xi32>
    %add3A_438 = arith.addi %broadcast_in_dim3A_112, %select_n3A_437 : vector<16xi32>
    %ge3A_439 = arith.cmpi sge, %add3A_435, %gather3A_36 : vector<16xi32>
    %select_n3A_440 = arith.select %ge3A_439, %broadcast_in_dim3A_110, %broadcast_in_dim3A_112 : vector<16xi1>, vector<16xi32>
    %add3A_441 = arith.addi %add3A_438, %select_n3A_440 : vector<16xi32>
    %ge3A_442 = arith.cmpi sge, %add3A_435, %gather3A_48 : vector<16xi32>
    %select_n3A_443 = arith.select %ge3A_442, %broadcast_in_dim3A_110, %broadcast_in_dim3A_112 : vector<16xi1>, vector<16xi32>
    %add3A_444 = arith.addi %add3A_441, %select_n3A_443 : vector<16xi32>
    %ge3A_445 = arith.cmpi sge, %add3A_435, %gather3A_60 : vector<16xi32>
    %select_n3A_446 = arith.select %ge3A_445, %broadcast_in_dim3A_110, %broadcast_in_dim3A_112 : vector<16xi1>, vector<16xi32>
    %add3A_447 = arith.addi %add3A_444, %select_n3A_446 : vector<16xi32>
    %ge3A_448 = arith.cmpi sge, %add3A_435, %gather3A_72 : vector<16xi32>
    %select_n3A_449 = arith.select %ge3A_448, %broadcast_in_dim3A_110, %broadcast_in_dim3A_112 : vector<16xi1>, vector<16xi32>
    %add3A_450 = arith.addi %add3A_447, %select_n3A_449 : vector<16xi32>
    %ge3A_451 = arith.cmpi sge, %add3A_435, %gather3A_84 : vector<16xi32>
    %select_n3A_452 = arith.select %ge3A_451, %broadcast_in_dim3A_110, %broadcast_in_dim3A_112 : vector<16xi1>, vector<16xi32>
    %add3A_453 = arith.addi %add3A_450, %select_n3A_452 : vector<16xi32>
    %ge3A_454 = arith.cmpi sge, %add3A_435, %gather3A_96 : vector<16xi32>
    %select_n3A_455 = arith.select %ge3A_454, %broadcast_in_dim3A_110, %broadcast_in_dim3A_112 : vector<16xi1>, vector<16xi32>
    %add3A_456 = arith.addi %add3A_453, %select_n3A_455 : vector<16xi32>
    %ge3A_457 = arith.cmpi sge, %add3A_435, %gather3A_108 : vector<16xi32>
    %select_n3A_458 = arith.select %ge3A_457, %broadcast_in_dim3A_110, %broadcast_in_dim3A_112 : vector<16xi1>, vector<16xi32>
    %add3A_459 = arith.addi %add3A_456, %select_n3A_458 : vector<16xi32>
    %lt3A_460 = arith.constant 0 : i32
    %lt3A_461 = vector.broadcast %lt3A_460 : i32 to vector<16xi32>
    %lt3A_462 = arith.cmpi slt, %add3A_459, %lt3A_461 : vector<16xi32>
    %add3A_463 = arith.constant 16 : i32
    %add3A_464 = vector.broadcast %add3A_463 : i32 to vector<16xi32>
    %add3A_465 = arith.addi %add3A_459, %add3A_464 : vector<16xi32>
    %select_n3A_466 = arith.select %lt3A_462, %add3A_465, %add3A_459 : vector<16xi1>, vector<16xi32>
    %broadcast_in_dim3A_467 = vector.shape_cast %select_n3A_466 : vector<16xi32> to vector<16x1xi32>
    %gather3A_468 = vector.shape_cast %broadcast_in_dim3A_467 : vector<16x1xi32> to vector<16xi32>
    %gather3A_469 = tpu.dynamic_gather %get3A_4[%gather3A_468] in [0] : vector<16xi32>, vector<16xi32> -> vector<16xi32>
    %sub3A_470 = arith.subi %add3A_435, %gather3A_469 : vector<16xi32>
    %swap3A_471 = arith.constant 0 : i32
    %swap3A_472 = arith.index_cast %swap3A_471 : i32 to index
    %swap3A_473 = arith.constant 112 : index
    %swap3A_474 = tpu.vector_load %arg6[%swap3A_472, %swap3A_473] {strides = array<i32>} : memref<2x128xi32, #tpu.memory_space<vmem>>, vector<1x16xi32>,
    %swap3A_475 = vector.shape_cast %swap3A_474 : vector<1x16xi32> to vector<16xi32>
    %swap3A_476 = vector.shape_cast %sub3A_470 : vector<16xi32> to vector<1x16xi32>
    tpu.vector_store %arg6[%swap3A_472, %swap3A_473], %swap3A_476 {strides = array<i32>} : memref<2x128xi32, #tpu.memory_space<vmem>>, vector<1x16xi32>,
    %add3A_477 = arith.constant 128 : i32
    %add3A_478 = arith.addi %mul3A_2, %add3A_477 : i32
    %iota3A_479 = tpu.iota {dimensions = array<i32: 0>} : vector<16xi32>
    %add3A_480 = vector.broadcast %add3A_478 : i32 to vector<16xi32>
    %add3A_481 = arith.addi %add3A_480, %iota3A_479 : vector<16xi32>
    %ge3A_482 = arith.cmpi sge, %add3A_481, %gather3A_24 : vector<16xi32>
    %select_n3A_483 = arith.select %ge3A_482, %broadcast_in_dim3A_110, %broadcast_in_dim3A_112 : vector<16xi1>, vector<16xi32>
    %add3A_484 = arith.addi %broadcast_in_dim3A_112, %select_n3A_483 : vector<16xi32>
    %ge3A_485 = arith.cmpi sge, %add3A_481, %gather3A_36 : vector<16xi32>
    %select_n3A_486 = arith.select %ge3A_485, %broadcast_in_dim3A_110, %broadcast_in_dim3A_112 : vector<16xi1>, vector<16xi32>
    %add3A_487 = arith.addi %add3A_484, %select_n3A_486 : vector<16xi32>
    %ge3A_488 = arith.cmpi sge, %add3A_481, %gather3A_48 : vector<16xi32>
    %select_n3A_489 = arith.select %ge3A_488, %broadcast_in_dim3A_110, %broadcast_in_dim3A_112 : vector<16xi1>, vector<16xi32>
    %add3A_490 = arith.addi %add3A_487, %select_n3A_489 : vector<16xi32>
    %ge3A_491 = arith.cmpi sge, %add3A_481, %gather3A_60 : vector<16xi32>
    %select_n3A_492 = arith.select %ge3A_491, %broadcast_in_dim3A_110, %broadcast_in_dim3A_112 : vector<16xi1>, vector<16xi32>
    %add3A_493 = arith.addi %add3A_490, %select_n3A_492 : vector<16xi32>
    %ge3A_494 = arith.cmpi sge, %add3A_481, %gather3A_72 : vector<16xi32>
    %select_n3A_495 = arith.select %ge3A_494, %broadcast_in_dim3A_110, %broadcast_in_dim3A_112 : vector<16xi1>, vector<16xi32>
    %add3A_496 = arith.addi %add3A_493, %select_n3A_495 : vector<16xi32>
    %ge3A_497 = arith.cmpi sge, %add3A_481, %gather3A_84 : vector<16xi32>
    %select_n3A_498 = arith.select %ge3A_497, %broadcast_in_dim3A_110, %broadcast_in_dim3A_112 : vector<16xi1>, vector<16xi32>
    %add3A_499 = arith.addi %add3A_496, %select_n3A_498 : vector<16xi32>
    %ge3A_500 = arith.cmpi sge, %add3A_481, %gather3A_96 : vector<16xi32>
    %select_n3A_501 = arith.select %ge3A_500, %broadcast_in_dim3A_110, %broadcast_in_dim3A_112 : vector<16xi1>, vector<16xi32>
    %add3A_502 = arith.addi %add3A_499, %select_n3A_501 : vector<16xi32>
    %ge3A_503 = arith.cmpi sge, %add3A_481, %gather3A_108 : vector<16xi32>
    %select_n3A_504 = arith.select %ge3A_503, %broadcast_in_dim3A_110, %broadcast_in_dim3A_112 : vector<16xi1>, vector<16xi32>
    %add3A_505 = arith.addi %add3A_502, %select_n3A_504 : vector<16xi32>
    %lt3A_506 = arith.constant 0 : i32
    %lt3A_507 = vector.broadcast %lt3A_506 : i32 to vector<16xi32>
    %lt3A_508 = arith.cmpi slt, %add3A_505, %lt3A_507 : vector<16xi32>
    %add3A_509 = arith.constant 16 : i32
    %add3A_510 = vector.broadcast %add3A_509 : i32 to vector<16xi32>
    %add3A_511 = arith.addi %add3A_505, %add3A_510 : vector<16xi32>
    %select_n3A_512 = arith.select %lt3A_508, %add3A_511, %add3A_505 : vector<16xi1>, vector<16xi32>
    %broadcast_in_dim3A_513 = vector.shape_cast %select_n3A_512 : vector<16xi32> to vector<16x1xi32>
    %gather3A_514 = vector.shape_cast %broadcast_in_dim3A_513 : vector<16x1xi32> to vector<16xi32>
    %gather3A_515 = tpu.dynamic_gather %get3A_4[%gather3A_514] in [0] : vector<16xi32>, vector<16xi32> -> vector<16xi32>
    %sub3A_516 = arith.subi %add3A_481, %gather3A_515 : vector<16xi32>
    %swap3A_517 = arith.constant 1 : i32
    %swap3A_518 = arith.index_cast %swap3A_517 : i32 to index
    %swap3A_519 = arith.constant 0 : index
    %swap3A_520 = tpu.vector_load %arg6[%swap3A_518, %swap3A_519] {strides = array<i32>} : memref<2x128xi32, #tpu.memory_space<vmem>>, vector<1x16xi32>,
    %swap3A_521 = vector.shape_cast %swap3A_520 : vector<1x16xi32> to vector<16xi32>
    %swap3A_522 = vector.shape_cast %sub3A_516 : vector<16xi32> to vector<1x16xi32>
    tpu.vector_store %arg6[%swap3A_518, %swap3A_519], %swap3A_522 {strides = array<i32>} : memref<2x128xi32, #tpu.memory_space<vmem>>, vector<1x16xi32>,
    %add3A_523 = arith.constant 144 : i32
    %add3A_524 = arith.addi %mul3A_2, %add3A_523 : i32
    %iota3A_525 = tpu.iota {dimensions = array<i32: 0>} : vector<16xi32>
    %add3A_526 = vector.broadcast %add3A_524 : i32 to vector<16xi32>
    %add3A_527 = arith.addi %add3A_526, %iota3A_525 : vector<16xi32>
    %ge3A_528 = arith.cmpi sge, %add3A_527, %gather3A_24 : vector<16xi32>
    %select_n3A_529 = arith.select %ge3A_528, %broadcast_in_dim3A_110, %broadcast_in_dim3A_112 : vector<16xi1>, vector<16xi32>
    %add3A_530 = arith.addi %broadcast_in_dim3A_112, %select_n3A_529 : vector<16xi32>
    %ge3A_531 = arith.cmpi sge, %add3A_527, %gather3A_36 : vector<16xi32>
    %select_n3A_532 = arith.select %ge3A_531, %broadcast_in_dim3A_110, %broadcast_in_dim3A_112 : vector<16xi1>, vector<16xi32>
    %add3A_533 = arith.addi %add3A_530, %select_n3A_532 : vector<16xi32>
    %ge3A_534 = arith.cmpi sge, %add3A_527, %gather3A_48 : vector<16xi32>
    %select_n3A_535 = arith.select %ge3A_534, %broadcast_in_dim3A_110, %broadcast_in_dim3A_112 : vector<16xi1>, vector<16xi32>
    %add3A_536 = arith.addi %add3A_533, %select_n3A_535 : vector<16xi32>
    %ge3A_537 = arith.cmpi sge, %add3A_527, %gather3A_60 : vector<16xi32>
    %select_n3A_538 = arith.select %ge3A_537, %broadcast_in_dim3A_110, %broadcast_in_dim3A_112 : vector<16xi1>, vector<16xi32>
    %add3A_539 = arith.addi %add3A_536, %select_n3A_538 : vector<16xi32>
    %ge3A_540 = arith.cmpi sge, %add3A_527, %gather3A_72 : vector<16xi32>
    %select_n3A_541 = arith.select %ge3A_540, %broadcast_in_dim3A_110, %broadcast_in_dim3A_112 : vector<16xi1>, vector<16xi32>
    %add3A_542 = arith.addi %add3A_539, %select_n3A_541 : vector<16xi32>
    %ge3A_543 = arith.cmpi sge, %add3A_527, %gather3A_84 : vector<16xi32>
    %select_n3A_544 = arith.select %ge3A_543, %broadcast_in_dim3A_110, %broadcast_in_dim3A_112 : vector<16xi1>, vector<16xi32>
    %add3A_545 = arith.addi %add3A_542, %select_n3A_544 : vector<16xi32>
    %ge3A_546 = arith.cmpi sge, %add3A_527, %gather3A_96 : vector<16xi32>
    %select_n3A_547 = arith.select %ge3A_546, %broadcast_in_dim3A_110, %broadcast_in_dim3A_112 : vector<16xi1>, vector<16xi32>
    %add3A_548 = arith.addi %add3A_545, %select_n3A_547 : vector<16xi32>
    %ge3A_549 = arith.cmpi sge, %add3A_527, %gather3A_108 : vector<16xi32>
    %select_n3A_550 = arith.select %ge3A_549, %broadcast_in_dim3A_110, %broadcast_in_dim3A_112 : vector<16xi1>, vector<16xi32>
    %add3A_551 = arith.addi %add3A_548, %select_n3A_550 : vector<16xi32>
    %lt3A_552 = arith.constant 0 : i32
    %lt3A_553 = vector.broadcast %lt3A_552 : i32 to vector<16xi32>
    %lt3A_554 = arith.cmpi slt, %add3A_551, %lt3A_553 : vector<16xi32>
    %add3A_555 = arith.constant 16 : i32
    %add3A_556 = vector.broadcast %add3A_555 : i32 to vector<16xi32>
    %add3A_557 = arith.addi %add3A_551, %add3A_556 : vector<16xi32>
    %select_n3A_558 = arith.select %lt3A_554, %add3A_557, %add3A_551 : vector<16xi1>, vector<16xi32>
    %broadcast_in_dim3A_559 = vector.shape_cast %select_n3A_558 : vector<16xi32> to vector<16x1xi32>
    %gather3A_560 = vector.shape_cast %broadcast_in_dim3A_559 : vector<16x1xi32> to vector<16xi32>
    %gather3A_561 = tpu.dynamic_gather %get3A_4[%gather3A_560] in [0] : vector<16xi32>, vector<16xi32> -> vector<16xi32>
    %sub3A_562 = arith.subi %add3A_527, %gather3A_561 : vector<16xi32>
    %swap3A_563 = arith.constant 1 : i32
    %swap3A_564 = arith.index_cast %swap3A_563 : i32 to index
    %swap3A_565 = arith.constant 16 : index
    %swap3A_566 = tpu.vector_load %arg6[%swap3A_564, %swap3A_565] {strides = array<i32>} : memref<2x128xi32, #tpu.memory_space<vmem>>, vector<1x16xi32>,
    %swap3A_567 = vector.shape_cast %swap3A_566 : vector<1x16xi32> to vector<16xi32>
    %swap3A_568 = vector.shape_cast %sub3A_562 : vector<16xi32> to vector<1x16xi32>
    tpu.vector_store %arg6[%swap3A_564, %swap3A_565], %swap3A_568 {strides = array<i32>} : memref<2x128xi32, #tpu.memory_space<vmem>>, vector<1x16xi32>,
    %add3A_569 = arith.constant 160 : i32
    %add3A_570 = arith.addi %mul3A_2, %add3A_569 : i32
    %iota3A_571 = tpu.iota {dimensions = array<i32: 0>} : vector<16xi32>
    %add3A_572 = vector.broadcast %add3A_570 : i32 to vector<16xi32>
    %add3A_573 = arith.addi %add3A_572, %iota3A_571 : vector<16xi32>
    %ge3A_574 = arith.cmpi sge, %add3A_573, %gather3A_24 : vector<16xi32>
    %select_n3A_575 = arith.select %ge3A_574, %broadcast_in_dim3A_110, %broadcast_in_dim3A_112 : vector<16xi1>, vector<16xi32>
    %add3A_576 = arith.addi %broadcast_in_dim3A_112, %select_n3A_575 : vector<16xi32>
    %ge3A_577 = arith.cmpi sge, %add3A_573, %gather3A_36 : vector<16xi32>
    %select_n3A_578 = arith.select %ge3A_577, %broadcast_in_dim3A_110, %broadcast_in_dim3A_112 : vector<16xi1>, vector<16xi32>
    %add3A_579 = arith.addi %add3A_576, %select_n3A_578 : vector<16xi32>
    %ge3A_580 = arith.cmpi sge, %add3A_573, %gather3A_48 : vector<16xi32>
    %select_n3A_581 = arith.select %ge3A_580, %broadcast_in_dim3A_110, %broadcast_in_dim3A_112 : vector<16xi1>, vector<16xi32>
    %add3A_582 = arith.addi %add3A_579, %select_n3A_581 : vector<16xi32>
    %ge3A_583 = arith.cmpi sge, %add3A_573, %gather3A_60 : vector<16xi32>
    %select_n3A_584 = arith.select %ge3A_583, %broadcast_in_dim3A_110, %broadcast_in_dim3A_112 : vector<16xi1>, vector<16xi32>
    %add3A_585 = arith.addi %add3A_582, %select_n3A_584 : vector<16xi32>
    %ge3A_586 = arith.cmpi sge, %add3A_573, %gather3A_72 : vector<16xi32>
    %select_n3A_587 = arith.select %ge3A_586, %broadcast_in_dim3A_110, %broadcast_in_dim3A_112 : vector<16xi1>, vector<16xi32>
    %add3A_588 = arith.addi %add3A_585, %select_n3A_587 : vector<16xi32>
    %ge3A_589 = arith.cmpi sge, %add3A_573, %gather3A_84 : vector<16xi32>
    %select_n3A_590 = arith.select %ge3A_589, %broadcast_in_dim3A_110, %broadcast_in_dim3A_112 : vector<16xi1>, vector<16xi32>
    %add3A_591 = arith.addi %add3A_588, %select_n3A_590 : vector<16xi32>
    %ge3A_592 = arith.cmpi sge, %add3A_573, %gather3A_96 : vector<16xi32>
    %select_n3A_593 = arith.select %ge3A_592, %broadcast_in_dim3A_110, %broadcast_in_dim3A_112 : vector<16xi1>, vector<16xi32>
    %add3A_594 = arith.addi %add3A_591, %select_n3A_593 : vector<16xi32>
    %ge3A_595 = arith.cmpi sge, %add3A_573, %gather3A_108 : vector<16xi32>
    %select_n3A_596 = arith.select %ge3A_595, %broadcast_in_dim3A_110, %broadcast_in_dim3A_112 : vector<16xi1>, vector<16xi32>
    %add3A_597 = arith.addi %add3A_594, %select_n3A_596 : vector<16xi32>
    %lt3A_598 = arith.constant 0 : i32
    %lt3A_599 = vector.broadcast %lt3A_598 : i32 to vector<16xi32>
    %lt3A_600 = arith.cmpi slt, %add3A_597, %lt3A_599 : vector<16xi32>
    %add3A_601 = arith.constant 16 : i32
    %add3A_602 = vector.broadcast %add3A_601 : i32 to vector<16xi32>
    %add3A_603 = arith.addi %add3A_597, %add3A_602 : vector<16xi32>
    %select_n3A_604 = arith.select %lt3A_600, %add3A_603, %add3A_597 : vector<16xi1>, vector<16xi32>
    %broadcast_in_dim3A_605 = vector.shape_cast %select_n3A_604 : vector<16xi32> to vector<16x1xi32>
    %gather3A_606 = vector.shape_cast %broadcast_in_dim3A_605 : vector<16x1xi32> to vector<16xi32>
    %gather3A_607 = tpu.dynamic_gather %get3A_4[%gather3A_606] in [0] : vector<16xi32>, vector<16xi32> -> vector<16xi32>
    %sub3A_608 = arith.subi %add3A_573, %gather3A_607 : vector<16xi32>
    %swap3A_609 = arith.constant 1 : i32
    %swap3A_610 = arith.index_cast %swap3A_609 : i32 to index
    %swap3A_611 = arith.constant 32 : index
    %swap3A_612 = tpu.vector_load %arg6[%swap3A_610, %swap3A_611] {strides = array<i32>} : memref<2x128xi32, #tpu.memory_space<vmem>>, vector<1x16xi32>,
    %swap3A_613 = vector.shape_cast %swap3A_612 : vector<1x16xi32> to vector<16xi32>
    %swap3A_614 = vector.shape_cast %sub3A_608 : vector<16xi32> to vector<1x16xi32>
    tpu.vector_store %arg6[%swap3A_610, %swap3A_611], %swap3A_614 {strides = array<i32>} : memref<2x128xi32, #tpu.memory_space<vmem>>, vector<1x16xi32>,
    %add3A_615 = arith.constant 176 : i32
    %add3A_616 = arith.addi %mul3A_2, %add3A_615 : i32
    %iota3A_617 = tpu.iota {dimensions = array<i32: 0>} : vector<16xi32>
    %add3A_618 = vector.broadcast %add3A_616 : i32 to vector<16xi32>
    %add3A_619 = arith.addi %add3A_618, %iota3A_617 : vector<16xi32>
    %ge3A_620 = arith.cmpi sge, %add3A_619, %gather3A_24 : vector<16xi32>
    %select_n3A_621 = arith.select %ge3A_620, %broadcast_in_dim3A_110, %broadcast_in_dim3A_112 : vector<16xi1>, vector<16xi32>
    %add3A_622 = arith.addi %broadcast_in_dim3A_112, %select_n3A_621 : vector<16xi32>
    %ge3A_623 = arith.cmpi sge, %add3A_619, %gather3A_36 : vector<16xi32>
    %select_n3A_624 = arith.select %ge3A_623, %broadcast_in_dim3A_110, %broadcast_in_dim3A_112 : vector<16xi1>, vector<16xi32>
    %add3A_625 = arith.addi %add3A_622, %select_n3A_624 : vector<16xi32>
    %ge3A_626 = arith.cmpi sge, %add3A_619, %gather3A_48 : vector<16xi32>
    %select_n3A_627 = arith.select %ge3A_626, %broadcast_in_dim3A_110, %broadcast_in_dim3A_112 : vector<16xi1>, vector<16xi32>
    %add3A_628 = arith.addi %add3A_625, %select_n3A_627 : vector<16xi32>
    %ge3A_629 = arith.cmpi sge, %add3A_619, %gather3A_60 : vector<16xi32>
    %select_n3A_630 = arith.select %ge3A_629, %broadcast_in_dim3A_110, %broadcast_in_dim3A_112 : vector<16xi1>, vector<16xi32>
    %add3A_631 = arith.addi %add3A_628, %select_n3A_630 : vector<16xi32>
    %ge3A_632 = arith.cmpi sge, %add3A_619, %gather3A_72 : vector<16xi32>
    %select_n3A_633 = arith.select %ge3A_632, %broadcast_in_dim3A_110, %broadcast_in_dim3A_112 : vector<16xi1>, vector<16xi32>
    %add3A_634 = arith.addi %add3A_631, %select_n3A_633 : vector<16xi32>
    %ge3A_635 = arith.cmpi sge, %add3A_619, %gather3A_84 : vector<16xi32>
    %select_n3A_636 = arith.select %ge3A_635, %broadcast_in_dim3A_110, %broadcast_in_dim3A_112 : vector<16xi1>, vector<16xi32>
    %add3A_637 = arith.addi %add3A_634, %select_n3A_636 : vector<16xi32>
    %ge3A_638 = arith.cmpi sge, %add3A_619, %gather3A_96 : vector<16xi32>
    %select_n3A_639 = arith.select %ge3A_638, %broadcast_in_dim3A_110, %broadcast_in_dim3A_112 : vector<16xi1>, vector<16xi32>
    %add3A_640 = arith.addi %add3A_637, %select_n3A_639 : vector<16xi32>
    %ge3A_641 = arith.cmpi sge, %add3A_619, %gather3A_108 : vector<16xi32>
    %select_n3A_642 = arith.select %ge3A_641, %broadcast_in_dim3A_110, %broadcast_in_dim3A_112 : vector<16xi1>, vector<16xi32>
    %add3A_643 = arith.addi %add3A_640, %select_n3A_642 : vector<16xi32>
    %lt3A_644 = arith.constant 0 : i32
    %lt3A_645 = vector.broadcast %lt3A_644 : i32 to vector<16xi32>
    %lt3A_646 = arith.cmpi slt, %add3A_643, %lt3A_645 : vector<16xi32>
    %add3A_647 = arith.constant 16 : i32
    %add3A_648 = vector.broadcast %add3A_647 : i32 to vector<16xi32>
    %add3A_649 = arith.addi %add3A_643, %add3A_648 : vector<16xi32>
    %select_n3A_650 = arith.select %lt3A_646, %add3A_649, %add3A_643 : vector<16xi1>, vector<16xi32>
    %broadcast_in_dim3A_651 = vector.shape_cast %select_n3A_650 : vector<16xi32> to vector<16x1xi32>
    %gather3A_652 = vector.shape_cast %broadcast_in_dim3A_651 : vector<16x1xi32> to vector<16xi32>
    %gather3A_653 = tpu.dynamic_gather %get3A_4[%gather3A_652] in [0] : vector<16xi32>, vector<16xi32> -> vector<16xi32>
    %sub3A_654 = arith.subi %add3A_619, %gather3A_653 : vector<16xi32>
    %swap3A_655 = arith.constant 1 : i32
    %swap3A_656 = arith.index_cast %swap3A_655 : i32 to index
    %swap3A_657 = arith.constant 48 : index
    %swap3A_658 = tpu.vector_load %arg6[%swap3A_656, %swap3A_657] {strides = array<i32>} : memref<2x128xi32, #tpu.memory_space<vmem>>, vector<1x16xi32>,
    %swap3A_659 = vector.shape_cast %swap3A_658 : vector<1x16xi32> to vector<16xi32>
    %swap3A_660 = vector.shape_cast %sub3A_654 : vector<16xi32> to vector<1x16xi32>
    tpu.vector_store %arg6[%swap3A_656, %swap3A_657], %swap3A_660 {strides = array<i32>} : memref<2x128xi32, #tpu.memory_space<vmem>>, vector<1x16xi32>,
    %add3A_661 = arith.constant 192 : i32
    %add3A_662 = arith.addi %mul3A_2, %add3A_661 : i32
    %iota3A_663 = tpu.iota {dimensions = array<i32: 0>} : vector<16xi32>
    %add3A_664 = vector.broadcast %add3A_662 : i32 to vector<16xi32>
    %add3A_665 = arith.addi %add3A_664, %iota3A_663 : vector<16xi32>
    %ge3A_666 = arith.cmpi sge, %add3A_665, %gather3A_24 : vector<16xi32>
    %select_n3A_667 = arith.select %ge3A_666, %broadcast_in_dim3A_110, %broadcast_in_dim3A_112 : vector<16xi1>, vector<16xi32>
    %add3A_668 = arith.addi %broadcast_in_dim3A_112, %select_n3A_667 : vector<16xi32>
    %ge3A_669 = arith.cmpi sge, %add3A_665, %gather3A_36 : vector<16xi32>
    %select_n3A_670 = arith.select %ge3A_669, %broadcast_in_dim3A_110, %broadcast_in_dim3A_112 : vector<16xi1>, vector<16xi32>
    %add3A_671 = arith.addi %add3A_668, %select_n3A_670 : vector<16xi32>
    %ge3A_672 = arith.cmpi sge, %add3A_665, %gather3A_48 : vector<16xi32>
    %select_n3A_673 = arith.select %ge3A_672, %broadcast_in_dim3A_110, %broadcast_in_dim3A_112 : vector<16xi1>, vector<16xi32>
    %add3A_674 = arith.addi %add3A_671, %select_n3A_673 : vector<16xi32>
    %ge3A_675 = arith.cmpi sge, %add3A_665, %gather3A_60 : vector<16xi32>
    %select_n3A_676 = arith.select %ge3A_675, %broadcast_in_dim3A_110, %broadcast_in_dim3A_112 : vector<16xi1>, vector<16xi32>
    %add3A_677 = arith.addi %add3A_674, %select_n3A_676 : vector<16xi32>
    %ge3A_678 = arith.cmpi sge, %add3A_665, %gather3A_72 : vector<16xi32>
    %select_n3A_679 = arith.select %ge3A_678, %broadcast_in_dim3A_110, %broadcast_in_dim3A_112 : vector<16xi1>, vector<16xi32>
    %add3A_680 = arith.addi %add3A_677, %select_n3A_679 : vector<16xi32>
    %ge3A_681 = arith.cmpi sge, %add3A_665, %gather3A_84 : vector<16xi32>
    %select_n3A_682 = arith.select %ge3A_681, %broadcast_in_dim3A_110, %broadcast_in_dim3A_112 : vector<16xi1>, vector<16xi32>
    %add3A_683 = arith.addi %add3A_680, %select_n3A_682 : vector<16xi32>
    %ge3A_684 = arith.cmpi sge, %add3A_665, %gather3A_96 : vector<16xi32>
    %select_n3A_685 = arith.select %ge3A_684, %broadcast_in_dim3A_110, %broadcast_in_dim3A_112 : vector<16xi1>, vector<16xi32>
    %add3A_686 = arith.addi %add3A_683, %select_n3A_685 : vector<16xi32>
    %ge3A_687 = arith.cmpi sge, %add3A_665, %gather3A_108 : vector<16xi32>
    %select_n3A_688 = arith.select %ge3A_687, %broadcast_in_dim3A_110, %broadcast_in_dim3A_112 : vector<16xi1>, vector<16xi32>
    %add3A_689 = arith.addi %add3A_686, %select_n3A_688 : vector<16xi32>
    %lt3A_690 = arith.constant 0 : i32
    %lt3A_691 = vector.broadcast %lt3A_690 : i32 to vector<16xi32>
    %lt3A_692 = arith.cmpi slt, %add3A_689, %lt3A_691 : vector<16xi32>
    %add3A_693 = arith.constant 16 : i32
    %add3A_694 = vector.broadcast %add3A_693 : i32 to vector<16xi32>
    %add3A_695 = arith.addi %add3A_689, %add3A_694 : vector<16xi32>
    %select_n3A_696 = arith.select %lt3A_692, %add3A_695, %add3A_689 : vector<16xi1>, vector<16xi32>
    %broadcast_in_dim3A_697 = vector.shape_cast %select_n3A_696 : vector<16xi32> to vector<16x1xi32>
    %gather3A_698 = vector.shape_cast %broadcast_in_dim3A_697 : vector<16x1xi32> to vector<16xi32>
    %gather3A_699 = tpu.dynamic_gather %get3A_4[%gather3A_698] in [0] : vector<16xi32>, vector<16xi32> -> vector<16xi32>
    %sub3A_700 = arith.subi %add3A_665, %gather3A_699 : vector<16xi32>
    %swap3A_701 = arith.constant 1 : i32
    %swap3A_702 = arith.index_cast %swap3A_701 : i32 to index
    %swap3A_703 = arith.constant 64 : index
    %swap3A_704 = tpu.vector_load %arg6[%swap3A_702, %swap3A_703] {strides = array<i32>} : memref<2x128xi32, #tpu.memory_space<vmem>>, vector<1x16xi32>,
    %swap3A_705 = vector.shape_cast %swap3A_704 : vector<1x16xi32> to vector<16xi32>
    %swap3A_706 = vector.shape_cast %sub3A_700 : vector<16xi32> to vector<1x16xi32>
    tpu.vector_store %arg6[%swap3A_702, %swap3A_703], %swap3A_706 {strides = array<i32>} : memref<2x128xi32, #tpu.memory_space<vmem>>, vector<1x16xi32>,
    %add3A_707 = arith.constant 208 : i32
    %add3A_708 = arith.addi %mul3A_2, %add3A_707 : i32
    %iota3A_709 = tpu.iota {dimensions = array<i32: 0>} : vector<16xi32>
    %add3A_710 = vector.broadcast %add3A_708 : i32 to vector<16xi32>
    %add3A_711 = arith.addi %add3A_710, %iota3A_709 : vector<16xi32>
    %ge3A_712 = arith.cmpi sge, %add3A_711, %gather3A_24 : vector<16xi32>
    %select_n3A_713 = arith.select %ge3A_712, %broadcast_in_dim3A_110, %broadcast_in_dim3A_112 : vector<16xi1>, vector<16xi32>
    %add3A_714 = arith.addi %broadcast_in_dim3A_112, %select_n3A_713 : vector<16xi32>
    %ge3A_715 = arith.cmpi sge, %add3A_711, %gather3A_36 : vector<16xi32>
    %select_n3A_716 = arith.select %ge3A_715, %broadcast_in_dim3A_110, %broadcast_in_dim3A_112 : vector<16xi1>, vector<16xi32>
    %add3A_717 = arith.addi %add3A_714, %select_n3A_716 : vector<16xi32>
    %ge3A_718 = arith.cmpi sge, %add3A_711, %gather3A_48 : vector<16xi32>
    %select_n3A_719 = arith.select %ge3A_718, %broadcast_in_dim3A_110, %broadcast_in_dim3A_112 : vector<16xi1>, vector<16xi32>
    %add3A_720 = arith.addi %add3A_717, %select_n3A_719 : vector<16xi32>
    %ge3A_721 = arith.cmpi sge, %add3A_711, %gather3A_60 : vector<16xi32>
    %select_n3A_722 = arith.select %ge3A_721, %broadcast_in_dim3A_110, %broadcast_in_dim3A_112 : vector<16xi1>, vector<16xi32>
    %add3A_723 = arith.addi %add3A_720, %select_n3A_722 : vector<16xi32>
    %ge3A_724 = arith.cmpi sge, %add3A_711, %gather3A_72 : vector<16xi32>
    %select_n3A_725 = arith.select %ge3A_724, %broadcast_in_dim3A_110, %broadcast_in_dim3A_112 : vector<16xi1>, vector<16xi32>
    %add3A_726 = arith.addi %add3A_723, %select_n3A_725 : vector<16xi32>
    %ge3A_727 = arith.cmpi sge, %add3A_711, %gather3A_84 : vector<16xi32>
    %select_n3A_728 = arith.select %ge3A_727, %broadcast_in_dim3A_110, %broadcast_in_dim3A_112 : vector<16xi1>, vector<16xi32>
    %add3A_729 = arith.addi %add3A_726, %select_n3A_728 : vector<16xi32>
    %ge3A_730 = arith.cmpi sge, %add3A_711, %gather3A_96 : vector<16xi32>
    %select_n3A_731 = arith.select %ge3A_730, %broadcast_in_dim3A_110, %broadcast_in_dim3A_112 : vector<16xi1>, vector<16xi32>
    %add3A_732 = arith.addi %add3A_729, %select_n3A_731 : vector<16xi32>
    %ge3A_733 = arith.cmpi sge, %add3A_711, %gather3A_108 : vector<16xi32>
    %select_n3A_734 = arith.select %ge3A_733, %broadcast_in_dim3A_110, %broadcast_in_dim3A_112 : vector<16xi1>, vector<16xi32>
    %add3A_735 = arith.addi %add3A_732, %select_n3A_734 : vector<16xi32>
    %lt3A_736 = arith.constant 0 : i32
    %lt3A_737 = vector.broadcast %lt3A_736 : i32 to vector<16xi32>
    %lt3A_738 = arith.cmpi slt, %add3A_735, %lt3A_737 : vector<16xi32>
    %add3A_739 = arith.constant 16 : i32
    %add3A_740 = vector.broadcast %add3A_739 : i32 to vector<16xi32>
    %add3A_741 = arith.addi %add3A_735, %add3A_740 : vector<16xi32>
    %select_n3A_742 = arith.select %lt3A_738, %add3A_741, %add3A_735 : vector<16xi1>, vector<16xi32>
    %broadcast_in_dim3A_743 = vector.shape_cast %select_n3A_742 : vector<16xi32> to vector<16x1xi32>
    %gather3A_744 = vector.shape_cast %broadcast_in_dim3A_743 : vector<16x1xi32> to vector<16xi32>
    %gather3A_745 = tpu.dynamic_gather %get3A_4[%gather3A_744] in [0] : vector<16xi32>, vector<16xi32> -> vector<16xi32>
    %sub3A_746 = arith.subi %add3A_711, %gather3A_745 : vector<16xi32>
    %swap3A_747 = arith.constant 1 : i32
    %swap3A_748 = arith.index_cast %swap3A_747 : i32 to index
    %swap3A_749 = arith.constant 80 : index
    %swap3A_750 = tpu.vector_load %arg6[%swap3A_748, %swap3A_749] {strides = array<i32>} : memref<2x128xi32, #tpu.memory_space<vmem>>, vector<1x16xi32>,
    %swap3A_751 = vector.shape_cast %swap3A_750 : vector<1x16xi32> to vector<16xi32>
    %swap3A_752 = vector.shape_cast %sub3A_746 : vector<16xi32> to vector<1x16xi32>
    tpu.vector_store %arg6[%swap3A_748, %swap3A_749], %swap3A_752 {strides = array<i32>} : memref<2x128xi32, #tpu.memory_space<vmem>>, vector<1x16xi32>,
    %add3A_753 = arith.constant 224 : i32
    %add3A_754 = arith.addi %mul3A_2, %add3A_753 : i32
    %iota3A_755 = tpu.iota {dimensions = array<i32: 0>} : vector<16xi32>
    %add3A_756 = vector.broadcast %add3A_754 : i32 to vector<16xi32>
    %add3A_757 = arith.addi %add3A_756, %iota3A_755 : vector<16xi32>
    %ge3A_758 = arith.cmpi sge, %add3A_757, %gather3A_24 : vector<16xi32>
    %select_n3A_759 = arith.select %ge3A_758, %broadcast_in_dim3A_110, %broadcast_in_dim3A_112 : vector<16xi1>, vector<16xi32>
    %add3A_760 = arith.addi %broadcast_in_dim3A_112, %select_n3A_759 : vector<16xi32>
    %ge3A_761 = arith.cmpi sge, %add3A_757, %gather3A_36 : vector<16xi32>
    %select_n3A_762 = arith.select %ge3A_761, %broadcast_in_dim3A_110, %broadcast_in_dim3A_112 : vector<16xi1>, vector<16xi32>
    %add3A_763 = arith.addi %add3A_760, %select_n3A_762 : vector<16xi32>
    %ge3A_764 = arith.cmpi sge, %add3A_757, %gather3A_48 : vector<16xi32>
    %select_n3A_765 = arith.select %ge3A_764, %broadcast_in_dim3A_110, %broadcast_in_dim3A_112 : vector<16xi1>, vector<16xi32>
    %add3A_766 = arith.addi %add3A_763, %select_n3A_765 : vector<16xi32>
    %ge3A_767 = arith.cmpi sge, %add3A_757, %gather3A_60 : vector<16xi32>
    %select_n3A_768 = arith.select %ge3A_767, %broadcast_in_dim3A_110, %broadcast_in_dim3A_112 : vector<16xi1>, vector<16xi32>
    %add3A_769 = arith.addi %add3A_766, %select_n3A_768 : vector<16xi32>
    %ge3A_770 = arith.cmpi sge, %add3A_757, %gather3A_72 : vector<16xi32>
    %select_n3A_771 = arith.select %ge3A_770, %broadcast_in_dim3A_110, %broadcast_in_dim3A_112 : vector<16xi1>, vector<16xi32>
    %add3A_772 = arith.addi %add3A_769, %select_n3A_771 : vector<16xi32>
    %ge3A_773 = arith.cmpi sge, %add3A_757, %gather3A_84 : vector<16xi32>
    %select_n3A_774 = arith.select %ge3A_773, %broadcast_in_dim3A_110, %broadcast_in_dim3A_112 : vector<16xi1>, vector<16xi32>
    %add3A_775 = arith.addi %add3A_772, %select_n3A_774 : vector<16xi32>
    %ge3A_776 = arith.cmpi sge, %add3A_757, %gather3A_96 : vector<16xi32>
    %select_n3A_777 = arith.select %ge3A_776, %broadcast_in_dim3A_110, %broadcast_in_dim3A_112 : vector<16xi1>, vector<16xi32>
    %add3A_778 = arith.addi %add3A_775, %select_n3A_777 : vector<16xi32>
    %ge3A_779 = arith.cmpi sge, %add3A_757, %gather3A_108 : vector<16xi32>
    %select_n3A_780 = arith.select %ge3A_779, %broadcast_in_dim3A_110, %broadcast_in_dim3A_112 : vector<16xi1>, vector<16xi32>
    %add3A_781 = arith.addi %add3A_778, %select_n3A_780 : vector<16xi32>
    %lt3A_782 = arith.constant 0 : i32
    %lt3A_783 = vector.broadcast %lt3A_782 : i32 to vector<16xi32>
    %lt3A_784 = arith.cmpi slt, %add3A_781, %lt3A_783 : vector<16xi32>
    %add3A_785 = arith.constant 16 : i32
    %add3A_786 = vector.broadcast %add3A_785 : i32 to vector<16xi32>
    %add3A_787 = arith.addi %add3A_781, %add3A_786 : vector<16xi32>
    %select_n3A_788 = arith.select %lt3A_784, %add3A_787, %add3A_781 : vector<16xi1>, vector<16xi32>
    %broadcast_in_dim3A_789 = vector.shape_cast %select_n3A_788 : vector<16xi32> to vector<16x1xi32>
    %gather3A_790 = vector.shape_cast %broadcast_in_dim3A_789 : vector<16x1xi32> to vector<16xi32>
    %gather3A_791 = tpu.dynamic_gather %get3A_4[%gather3A_790] in [0] : vector<16xi32>, vector<16xi32> -> vector<16xi32>
    %sub3A_792 = arith.subi %add3A_757, %gather3A_791 : vector<16xi32>
    %swap3A_793 = arith.constant 1 : i32
    %swap3A_794 = arith.index_cast %swap3A_793 : i32 to index
    %swap3A_795 = arith.constant 96 : index
    %swap3A_796 = tpu.vector_load %arg6[%swap3A_794, %swap3A_795] {strides = array<i32>} : memref<2x128xi32, #tpu.memory_space<vmem>>, vector<1x16xi32>,
    %swap3A_797 = vector.shape_cast %swap3A_796 : vector<1x16xi32> to vector<16xi32>
    %swap3A_798 = vector.shape_cast %sub3A_792 : vector<16xi32> to vector<1x16xi32>
    tpu.vector_store %arg6[%swap3A_794, %swap3A_795], %swap3A_798 {strides = array<i32>} : memref<2x128xi32, #tpu.memory_space<vmem>>, vector<1x16xi32>,
    %add3A_799 = arith.constant 240 : i32
    %add3A_800 = arith.addi %mul3A_2, %add3A_799 : i32
    %iota3A_801 = tpu.iota {dimensions = array<i32: 0>} : vector<16xi32>
    %add3A_802 = vector.broadcast %add3A_800 : i32 to vector<16xi32>
    %add3A_803 = arith.addi %add3A_802, %iota3A_801 : vector<16xi32>
    %ge3A_804 = arith.cmpi sge, %add3A_803, %gather3A_24 : vector<16xi32>
    %select_n3A_805 = arith.select %ge3A_804, %broadcast_in_dim3A_110, %broadcast_in_dim3A_112 : vector<16xi1>, vector<16xi32>
    %add3A_806 = arith.addi %broadcast_in_dim3A_112, %select_n3A_805 : vector<16xi32>
    %ge3A_807 = arith.cmpi sge, %add3A_803, %gather3A_36 : vector<16xi32>
    %select_n3A_808 = arith.select %ge3A_807, %broadcast_in_dim3A_110, %broadcast_in_dim3A_112 : vector<16xi1>, vector<16xi32>
    %add3A_809 = arith.addi %add3A_806, %select_n3A_808 : vector<16xi32>
    %ge3A_810 = arith.cmpi sge, %add3A_803, %gather3A_48 : vector<16xi32>
    %select_n3A_811 = arith.select %ge3A_810, %broadcast_in_dim3A_110, %broadcast_in_dim3A_112 : vector<16xi1>, vector<16xi32>
    %add3A_812 = arith.addi %add3A_809, %select_n3A_811 : vector<16xi32>
    %ge3A_813 = arith.cmpi sge, %add3A_803, %gather3A_60 : vector<16xi32>
    %select_n3A_814 = arith.select %ge3A_813, %broadcast_in_dim3A_110, %broadcast_in_dim3A_112 : vector<16xi1>, vector<16xi32>
    %add3A_815 = arith.addi %add3A_812, %select_n3A_814 : vector<16xi32>
    %ge3A_816 = arith.cmpi sge, %add3A_803, %gather3A_72 : vector<16xi32>
    %select_n3A_817 = arith.select %ge3A_816, %broadcast_in_dim3A_110, %broadcast_in_dim3A_112 : vector<16xi1>, vector<16xi32>
    %add3A_818 = arith.addi %add3A_815, %select_n3A_817 : vector<16xi32>
    %ge3A_819 = arith.cmpi sge, %add3A_803, %gather3A_84 : vector<16xi32>
    %select_n3A_820 = arith.select %ge3A_819, %broadcast_in_dim3A_110, %broadcast_in_dim3A_112 : vector<16xi1>, vector<16xi32>
    %add3A_821 = arith.addi %add3A_818, %select_n3A_820 : vector<16xi32>
    %ge3A_822 = arith.cmpi sge, %add3A_803, %gather3A_96 : vector<16xi32>
    %select_n3A_823 = arith.select %ge3A_822, %broadcast_in_dim3A_110, %broadcast_in_dim3A_112 : vector<16xi1>, vector<16xi32>
    %add3A_824 = arith.addi %add3A_821, %select_n3A_823 : vector<16xi32>
    %ge3A_825 = arith.cmpi sge, %add3A_803, %gather3A_108 : vector<16xi32>
    %select_n3A_826 = arith.select %ge3A_825, %broadcast_in_dim3A_110, %broadcast_in_dim3A_112 : vector<16xi1>, vector<16xi32>
    %add3A_827 = arith.addi %add3A_824, %select_n3A_826 : vector<16xi32>
    %lt3A_828 = arith.constant 0 : i32
    %lt3A_829 = vector.broadcast %lt3A_828 : i32 to vector<16xi32>
    %lt3A_830 = arith.cmpi slt, %add3A_827, %lt3A_829 : vector<16xi32>
    %add3A_831 = arith.constant 16 : i32
    %add3A_832 = vector.broadcast %add3A_831 : i32 to vector<16xi32>
    %add3A_833 = arith.addi %add3A_827, %add3A_832 : vector<16xi32>
    %select_n3A_834 = arith.select %lt3A_830, %add3A_833, %add3A_827 : vector<16xi1>, vector<16xi32>
    %broadcast_in_dim3A_835 = vector.shape_cast %select_n3A_834 : vector<16xi32> to vector<16x1xi32>
    %gather3A_836 = vector.shape_cast %broadcast_in_dim3A_835 : vector<16x1xi32> to vector<16xi32>
    %gather3A_837 = tpu.dynamic_gather %get3A_4[%gather3A_836] in [0] : vector<16xi32>, vector<16xi32> -> vector<16xi32>
    %sub3A_838 = arith.subi %add3A_803, %gather3A_837 : vector<16xi32>
    %swap3A_839 = arith.constant 1 : i32
    %swap3A_840 = arith.index_cast %swap3A_839 : i32 to index
    %swap3A_841 = arith.constant 112 : index
    %swap3A_842 = tpu.vector_load %arg6[%swap3A_840, %swap3A_841] {strides = array<i32>} : memref<2x128xi32, #tpu.memory_space<vmem>>, vector<1x16xi32>,
    %swap3A_843 = vector.shape_cast %swap3A_842 : vector<1x16xi32> to vector<16xi32>
    %swap3A_844 = vector.shape_cast %sub3A_838 : vector<16xi32> to vector<1x16xi32>
    tpu.vector_store %arg6[%swap3A_840, %swap3A_841], %swap3A_844 {strides = array<i32>} : memref<2x128xi32, #tpu.memory_space<vmem>>, vector<1x16xi32>,
    %dma_start3A = arith.constant 0 : i32
    %dma_start3A_845 = arith.constant 0 : i32
    %dma_start3A_846 = arith.constant 0 : i32
    %dma_start3A_847 = arith.constant 0 : i32
    %dma_start3A_848 = tpu.memref_slice %arg7[%dma_start3A_845, %dma_start3A_846, %dma_start3A_847] : memref<2x128x128xf32, #tpu.memory_space<vmem>> -> memref<1x128x128xf32, #tpu.memory_space<vmem>>
    %dma_start3A_849 = tpu.memref_squeeze %dma_start3A_848 : memref<1x128x128xf32, #tpu.memory_space<vmem>> -> memref<128x128xf32, #tpu.memory_space<vmem>>
    %dma_start3A_850 = arith.constant 0 : i32
    %dma_start3A_851 = tpu.memref_slice %arg6[%dma_start3A, %dma_start3A_850] : memref<2x128xi32, #tpu.memory_space<vmem>> -> memref<1x128xi32, #tpu.memory_space<vmem>>
    %dma_start3A_852 = tpu.memref_squeeze %dma_start3A_851 : memref<1x128xi32, #tpu.memory_space<vmem>> -> memref<128xi32, #tpu.memory_space<vmem>>
    %dma_start3A_853 = arith.constant 0 : i32
    %dma_start3A_854 = arith.constant 0 : i32
    %dma_start3A_855 = tpu.memref_slice %arg3[%dma_start3A_853, %dma_start3A_854] : memref<2048x128xf32, #tpu.memory_space<hbm>> -> memref<2048x128xf32, #tpu.memory_space<hbm>>
    tpu.enqueue_indirect_dma source(%dma_start3A_855 : memref<2048x128xf32, #tpu.memory_space<hbm>>) target(%dma_start3A_849 : memref<128x128xf32, #tpu.memory_space<vmem>>) offsets(%dma_start3A_852 : memref<128xi32, #tpu.memory_space<vmem>>) semaphore(%arg8 : memref<!tpu.dma_semaphore, #tpu.memory_space<semaphore_mem>>)
    %dma_start3A_856 = arith.constant 1 : i32
    %dma_start3A_857 = arith.constant 1 : i32
    %dma_start3A_858 = arith.constant 0 : i32
    %dma_start3A_859 = arith.constant 0 : i32
    %dma_start3A_860 = tpu.memref_slice %arg7[%dma_start3A_857, %dma_start3A_858, %dma_start3A_859] : memref<2x128x128xf32, #tpu.memory_space<vmem>> -> memref<1x128x128xf32, #tpu.memory_space<vmem>>
    %dma_start3A_861 = tpu.memref_squeeze %dma_start3A_860 : memref<1x128x128xf32, #tpu.memory_space<vmem>> -> memref<128x128xf32, #tpu.memory_space<vmem>>
    %dma_start3A_862 = arith.constant 0 : i32
    %dma_start3A_863 = tpu.memref_slice %arg6[%dma_start3A_856, %dma_start3A_862] : memref<2x128xi32, #tpu.memory_space<vmem>> -> memref<1x128xi32, #tpu.memory_space<vmem>>
    %dma_start3A_864 = tpu.memref_squeeze %dma_start3A_863 : memref<1x128xi32, #tpu.memory_space<vmem>> -> memref<128xi32, #tpu.memory_space<vmem>>
    %dma_start3A_865 = arith.constant 0 : i32
    %dma_start3A_866 = arith.constant 0 : i32
    %dma_start3A_867 = tpu.memref_slice %arg3[%dma_start3A_865, %dma_start3A_866] : memref<2048x128xf32, #tpu.memory_space<hbm>> -> memref<2048x128xf32, #tpu.memory_space<hbm>>
    tpu.enqueue_indirect_dma source(%dma_start3A_867 : memref<2048x128xf32, #tpu.memory_space<hbm>>) target(%dma_start3A_861 : memref<128x128xf32, #tpu.memory_space<vmem>>) offsets(%dma_start3A_864 : memref<128xi32, #tpu.memory_space<vmem>>) semaphore(%arg8 : memref<!tpu.dma_semaphore, #tpu.memory_space<semaphore_mem>>)
    %dma_wait3A = arith.constant 0 : i32
    %dma_wait3A_868 = arith.constant 0 : i32
    %dma_wait3A_869 = arith.constant 0 : i32
    %dma_wait3A_870 = arith.constant 0 : i32
    %dma_wait3A_871 = tpu.memref_slice %arg7[%dma_wait3A_868, %dma_wait3A_869, %dma_wait3A_870] : memref<2x128x128xf32, #tpu.memory_space<vmem>> -> memref<1x128x128xf32, #tpu.memory_space<vmem>>
    %dma_wait3A_872 = tpu.memref_squeeze %dma_wait3A_871 : memref<1x128x128xf32, #tpu.memory_space<vmem>> -> memref<128x128xf32, #tpu.memory_space<vmem>>
    %dma_wait3A_873 = arith.constant 0 : i32
    %dma_wait3A_874 = tpu.memref_slice %arg6[%dma_wait3A, %dma_wait3A_873] : memref<2x128xi32, #tpu.memory_space<vmem>> -> memref<1x128xi32, #tpu.memory_space<vmem>>
    %dma_wait3A_875 = tpu.memref_squeeze %dma_wait3A_874 : memref<1x128xi32, #tpu.memory_space<vmem>> -> memref<128xi32, #tpu.memory_space<vmem>>
    %dma_wait3A_876 = arith.constant 0 : i32
    %dma_wait3A_877 = arith.constant 0 : i32
    %dma_wait3A_878 = tpu.memref_slice %arg3[%dma_wait3A_876, %dma_wait3A_877] : memref<2048x128xf32, #tpu.memory_space<hbm>> -> memref<2048x128xf32, #tpu.memory_space<hbm>>
    tpu.wait_indirect_dma semaphore(%arg8 : memref<!tpu.dma_semaphore, #tpu.memory_space<semaphore_mem>>) src(%dma_wait3A_878 : memref<2048x128xf32, #tpu.memory_space<hbm>>) dst(%dma_wait3A_872 : memref<128x128xf32, #tpu.memory_space<vmem>>)
    %dma_wait3A_879 = arith.constant 1 : i32
    %dma_wait3A_880 = arith.constant 1 : i32
    %dma_wait3A_881 = arith.constant 0 : i32
    %dma_wait3A_882 = arith.constant 0 : i32
    %dma_wait3A_883 = tpu.memref_slice %arg7[%dma_wait3A_880, %dma_wait3A_881, %dma_wait3A_882] : memref<2x128x128xf32, #tpu.memory_space<vmem>> -> memref<1x128x128xf32, #tpu.memory_space<vmem>>
    %dma_wait3A_884 = tpu.memref_squeeze %dma_wait3A_883 : memref<1x128x128xf32, #tpu.memory_space<vmem>> -> memref<128x128xf32, #tpu.memory_space<vmem>>
    %dma_wait3A_885 = arith.constant 0 : i32
    %dma_wait3A_886 = tpu.memref_slice %arg6[%dma_wait3A_879, %dma_wait3A_885] : memref<2x128xi32, #tpu.memory_space<vmem>> -> memref<1x128xi32, #tpu.memory_space<vmem>>
    %dma_wait3A_887 = tpu.memref_squeeze %dma_wait3A_886 : memref<1x128xi32, #tpu.memory_space<vmem>> -> memref<128xi32, #tpu.memory_space<vmem>>
    %dma_wait3A_888 = arith.constant 0 : i32
    %dma_wait3A_889 = arith.constant 0 : i32
    %dma_wait3A_890 = tpu.memref_slice %arg3[%dma_wait3A_888, %dma_wait3A_889] : memref<2048x128xf32, #tpu.memory_space<hbm>> -> memref<2048x128xf32, #tpu.memory_space<hbm>>
    tpu.wait_indirect_dma semaphore(%arg8 : memref<!tpu.dma_semaphore, #tpu.memory_space<semaphore_mem>>) src(%dma_wait3A_890 : memref<2048x128xf32, #tpu.memory_space<hbm>>) dst(%dma_wait3A_884 : memref<128x128xf32, #tpu.memory_space<vmem>>)
    %add3A_891 = arith.constant 0 : i32
    %add3A_892 = arith.addi %mul3A_2, %add3A_891 : i32
    %run_scoped3A = arith.constant 0 : i32
    "tpu.region"() ({
      %run_scoped3A_896 = tpu.sem_alloc : memref<!tpu.dma_semaphore, #tpu.memory_space<semaphore_mem>>
      %dma_start3A_897 = arith.constant 0 : i32
      %dma_start3A_898 = arith.constant 0 : i32
      %dma_start3A_899 = tpu.memref_slice %arg7[%run_scoped3A, %dma_start3A_897, %dma_start3A_898] : memref<2x128x128xf32, #tpu.memory_space<vmem>> -> memref<1x128x128xf32, #tpu.memory_space<vmem>>
      %dma_start3A_900 = tpu.memref_squeeze %dma_start3A_899 : memref<1x128x128xf32, #tpu.memory_space<vmem>> -> memref<128x128xf32, #tpu.memory_space<vmem>>
      %dma_start3A_901 = arith.constant 0 : i32
      %dma_start3A_902 = tpu.memref_slice %arg4[%add3A_892, %dma_start3A_901] : memref<8192x128xf32, #tpu.memory_space<hbm>> -> memref<128x128xf32, #tpu.memory_space<hbm>>
      %dma_start3A_903 = arith.constant 0 : i32
      %dma_start3A_904 = tpu.memref_slice %arg4[%add3A_892, %dma_start3A_903] : memref<8192x128xf32, #tpu.memory_space<hbm>> -> memref<128x128xf32, #tpu.memory_space<hbm>>
      %dma_start3A_905 = arith.constant 0 : i32
      %dma_start3A_906 = arith.constant 0 : i32
      %dma_start3A_907 = tpu.memref_slice %arg7[%run_scoped3A, %dma_start3A_905, %dma_start3A_906] : memref<2x128x128xf32, #tpu.memory_space<vmem>> -> memref<1x128x128xf32, #tpu.memory_space<vmem>>
      %dma_start3A_908 = tpu.memref_squeeze %dma_start3A_907 : memref<1x128x128xf32, #tpu.memory_space<vmem>> -> memref<128x128xf32, #tpu.memory_space<vmem>>
      tpu.enqueue_dma source(%dma_start3A_908 : memref<128x128xf32, #tpu.memory_space<vmem>>) target(%dma_start3A_904 : memref<128x128xf32, #tpu.memory_space<hbm>>) target_semaphore(%run_scoped3A_896 : memref<!tpu.dma_semaphore, #tpu.memory_space<semaphore_mem>>)
      %dma_wait3A_909 = arith.constant 0 : i32
      %dma_wait3A_910 = arith.constant 0 : i32
      %dma_wait3A_911 = tpu.memref_slice %arg7[%run_scoped3A, %dma_wait3A_909, %dma_wait3A_910] : memref<2x128x128xf32, #tpu.memory_space<vmem>> -> memref<1x128x128xf32, #tpu.memory_space<vmem>>
      %dma_wait3A_912 = tpu.memref_squeeze %dma_wait3A_911 : memref<1x128x128xf32, #tpu.memory_space<vmem>> -> memref<128x128xf32, #tpu.memory_space<vmem>>
      %dma_wait3A_913 = arith.constant 0 : i32
      %dma_wait3A_914 = tpu.memref_slice %arg4[%add3A_892, %dma_wait3A_913] : memref<8192x128xf32, #tpu.memory_space<hbm>> -> memref<128x128xf32, #tpu.memory_space<hbm>>
      %dma_wait3A_915 = arith.constant 0 : i32
      %dma_wait3A_916 = tpu.memref_slice %arg4[%add3A_892, %dma_wait3A_915] : memref<8192x128xf32, #tpu.memory_space<hbm>> -> memref<128x128xf32, #tpu.memory_space<hbm>>
      %dma_wait3A_917 = arith.constant 0 : i32
      %dma_wait3A_918 = arith.constant 0 : i32
      %dma_wait3A_919 = tpu.memref_slice %arg7[%run_scoped3A, %dma_wait3A_917, %dma_wait3A_918] : memref<2x128x128xf32, #tpu.memory_space<vmem>> -> memref<1x128x128xf32, #tpu.memory_space<vmem>>
      %dma_wait3A_920 = tpu.memref_squeeze %dma_wait3A_919 : memref<1x128x128xf32, #tpu.memory_space<vmem>> -> memref<128x128xf32, #tpu.memory_space<vmem>>
      tpu.wait_dma2 semaphore(%run_scoped3A_896 : memref<!tpu.dma_semaphore, #tpu.memory_space<semaphore_mem>>) src(%dma_wait3A_920 : memref<128x128xf32, #tpu.memory_space<vmem>>) dst(%dma_wait3A_916 : memref<128x128xf32, #tpu.memory_space<hbm>>)
      tpu.yield
    }) : () -> ()
    %add3A_893 = arith.constant 128 : i32
    %add3A_894 = arith.addi %mul3A_2, %add3A_893 : i32
    %run_scoped3A_895 = arith.constant 1 : i32
    "tpu.region"() ({
      %run_scoped3A_896 = tpu.sem_alloc : memref<!tpu.dma_semaphore, #tpu.memory_space<semaphore_mem>>
      %dma_start3A_897 = arith.constant 0 : i32
      %dma_start3A_898 = arith.constant 0 : i32
      %dma_start3A_899 = tpu.memref_slice %arg7[%run_scoped3A_895, %dma_start3A_897, %dma_start3A_898] : memref<2x128x128xf32, #tpu.memory_space<vmem>> -> memref<1x128x128xf32, #tpu.memory_space<vmem>>
      %dma_start3A_900 = tpu.memref_squeeze %dma_start3A_899 : memref<1x128x128xf32, #tpu.memory_space<vmem>> -> memref<128x128xf32, #tpu.memory_space<vmem>>
      %dma_start3A_901 = arith.constant 0 : i32
      %dma_start3A_902 = tpu.memref_slice %arg4[%add3A_894, %dma_start3A_901] : memref<8192x128xf32, #tpu.memory_space<hbm>> -> memref<128x128xf32, #tpu.memory_space<hbm>>
      %dma_start3A_903 = arith.constant 0 : i32
      %dma_start3A_904 = tpu.memref_slice %arg4[%add3A_894, %dma_start3A_903] : memref<8192x128xf32, #tpu.memory_space<hbm>> -> memref<128x128xf32, #tpu.memory_space<hbm>>
      %dma_start3A_905 = arith.constant 0 : i32
      %dma_start3A_906 = arith.constant 0 : i32
      %dma_start3A_907 = tpu.memref_slice %arg7[%run_scoped3A_895, %dma_start3A_905, %dma_start3A_906] : memref<2x128x128xf32, #tpu.memory_space<vmem>> -> memref<1x128x128xf32, #tpu.memory_space<vmem>>
      %dma_start3A_908 = tpu.memref_squeeze %dma_start3A_907 : memref<1x128x128xf32, #tpu.memory_space<vmem>> -> memref<128x128xf32, #tpu.memory_space<vmem>>
      tpu.enqueue_dma source(%dma_start3A_908 : memref<128x128xf32, #tpu.memory_space<vmem>>) target(%dma_start3A_904 : memref<128x128xf32, #tpu.memory_space<hbm>>) target_semaphore(%run_scoped3A_896 : memref<!tpu.dma_semaphore, #tpu.memory_space<semaphore_mem>>)
      %dma_wait3A_909 = arith.constant 0 : i32
      %dma_wait3A_910 = arith.constant 0 : i32
      %dma_wait3A_911 = tpu.memref_slice %arg7[%run_scoped3A_895, %dma_wait3A_909, %dma_wait3A_910] : memref<2x128x128xf32, #tpu.memory_space<vmem>> -> memref<1x128x128xf32, #tpu.memory_space<vmem>>
      %dma_wait3A_912 = tpu.memref_squeeze %dma_wait3A_911 : memref<1x128x128xf32, #tpu.memory_space<vmem>> -> memref<128x128xf32, #tpu.memory_space<vmem>>
      %dma_wait3A_913 = arith.constant 0 : i32
      %dma_wait3A_914 = tpu.memref_slice %arg4[%add3A_894, %dma_wait3A_913] : memref<8192x128xf32, #tpu.memory_space<hbm>> -> memref<128x128xf32, #tpu.memory_space<hbm>>
      %dma_wait3A_915 = arith.constant 0 : i32
      %dma_wait3A_916 = tpu.memref_slice %arg4[%add3A_894, %dma_wait3A_915] : memref<8192x128xf32, #tpu.memory_space<hbm>> -> memref<128x128xf32, #tpu.memory_space<hbm>>
      %dma_wait3A_917 = arith.constant 0 : i32
      %dma_wait3A_918 = arith.constant 0 : i32
      %dma_wait3A_919 = tpu.memref_slice %arg7[%run_scoped3A_895, %dma_wait3A_917, %dma_wait3A_918] : memref<2x128x128xf32, #tpu.memory_space<vmem>> -> memref<1x128x128xf32, #tpu.memory_space<vmem>>
      %dma_wait3A_920 = tpu.memref_squeeze %dma_wait3A_919 : memref<1x128x128xf32, #tpu.memory_space<vmem>> -> memref<128x128xf32, #tpu.memory_space<vmem>>
      tpu.wait_dma2 semaphore(%run_scoped3A_896 : memref<!tpu.dma_semaphore, #tpu.memory_space<semaphore_mem>>) src(%dma_wait3A_920 : memref<128x128xf32, #tpu.memory_space<vmem>>) dst(%dma_wait3A_916 : memref<128x128xf32, #tpu.memory_space<hbm>>)
      tpu.yield
    }) : () -> ()
    return
  }
}

module attributes {stable_mosaic.version = 14 : i64} {
  func.func @body(%arg0: i32, %arg1: memref<512x3x8x128xf32, #tpu.memory_space<vmem>>, %arg2: memref<512x128xf32, #tpu.memory_space<vmem>>, %arg3: memref<512x3x8x128xf32, #tpu.memory_space<vmem>>) attributes {dimension_semantics = [#tpu.dimension_semantics<arbitrary>], iteration_bounds = array<i64: 16>, scalar_prefetch = 0 : i64, scratch_operands = 0 : i64, tpu.core_type = #tpu.core_type<tc>, window_params = [{transform_indices = @transform_0, window_bounds = array<i64: 512, 3, 8, 128>}, {transform_indices = @transform_1, window_bounds = array<i64: 512, 128>}, {transform_indices = @transform_2, window_bounds = array<i64: 512, 3, 8, 128>}]} {
    %get3A = arith.constant 0 : index
    %get3A_0 = arith.constant 0 : index
    %get3A_1 = vector.load %arg2[%get3A, %get3A_0] : memref<512x128xf32, #tpu.memory_space<vmem>>, vector<512x128xf32>
    %slice3A = vector.extract_strided_slice %get3A_1 {offsets = [0, 0], sizes = [512, 32], strides = [1, 1]} : vector<512x128xf32> to vector<512x32xf32>
    %slice3A_2 = vector.extract_strided_slice %get3A_1 {offsets = [0, 32], sizes = [512, 32], strides = [1, 1]} : vector<512x128xf32> to vector<512x32xf32>
    %concatenate3A = tpu.concatenate %slice3A, %slice3A, %slice3A, %slice3A in 1 : vector<512x32xf32>, vector<512x32xf32>, vector<512x32xf32>, vector<512x32xf32> -> vector<512x128xf32>
    %broadcast_in_dim3A = vector.shape_cast %concatenate3A : vector<512x128xf32> to vector<512x1x1x128xf32>
    %neg3A = arith.constant 0.000000e+00 : f32
    %neg3A_3 = vector.broadcast %neg3A : f32 to vector<512x32xf32>
    %neg3A_4 = arith.subf %neg3A_3, %slice3A_2 : vector<512x32xf32>
    %neg3A_5 = arith.constant 0.000000e+00 : f32
    %neg3A_6 = vector.broadcast %neg3A_5 : f32 to vector<512x32xf32>
    %neg3A_7 = arith.subf %neg3A_6, %slice3A_2 : vector<512x32xf32>
    %concatenate3A_8 = tpu.concatenate %neg3A_4, %slice3A_2, %neg3A_7, %slice3A_2 in 1 : vector<512x32xf32>, vector<512x32xf32>, vector<512x32xf32>, vector<512x32xf32> -> vector<512x128xf32>
    %broadcast_in_dim3A_9 = vector.shape_cast %concatenate3A_8 : vector<512x128xf32> to vector<512x1x1x128xf32>
    %get3A_10 = arith.constant 0 : index
    %get3A_11 = arith.constant 0 : index
    %get3A_12 = arith.constant 0 : index
    %get3A_13 = arith.constant 0 : index
    %get3A_14 = vector.load %arg1[%get3A_10, %get3A_11, %get3A_12, %get3A_13] : memref<512x3x8x128xf32, #tpu.memory_space<vmem>>, vector<512x2x8x128xf32>
    %slice3A_15 = vector.extract_strided_slice %get3A_14 {offsets = [0, 0, 0, 32], sizes = [512, 2, 8, 32], strides = [1, 1, 1, 1]} : vector<512x2x8x128xf32> to vector<512x2x8x32xf32>
    %slice3A_16 = vector.extract_strided_slice %get3A_14 {offsets = [0, 0, 0, 0], sizes = [512, 2, 8, 32], strides = [1, 1, 1, 1]} : vector<512x2x8x128xf32> to vector<512x2x8x32xf32>
    %slice3A_17 = vector.extract_strided_slice %get3A_14 {offsets = [0, 0, 0, 96], sizes = [512, 2, 8, 32], strides = [1, 1, 1, 1]} : vector<512x2x8x128xf32> to vector<512x2x8x32xf32>
    %slice3A_18 = vector.extract_strided_slice %get3A_14 {offsets = [0, 0, 0, 64], sizes = [512, 2, 8, 32], strides = [1, 1, 1, 1]} : vector<512x2x8x128xf32> to vector<512x2x8x32xf32>
    %concatenate3A_19 = tpu.concatenate %slice3A_15, %slice3A_16, %slice3A_17, %slice3A_18 in 3 : vector<512x2x8x32xf32>, vector<512x2x8x32xf32>, vector<512x2x8x32xf32>, vector<512x2x8x32xf32> -> vector<512x2x8x128xf32>
    %mul3A = vector.broadcast %broadcast_in_dim3A : vector<512x1x1x128xf32> to vector<512x2x8x128xf32>
    %mul3A_20 = arith.mulf %get3A_14, %mul3A : vector<512x2x8x128xf32>
    %mul3A_21 = vector.broadcast %broadcast_in_dim3A_9 : vector<512x1x1x128xf32> to vector<512x2x8x128xf32>
    %mul3A_22 = arith.mulf %concatenate3A_19, %mul3A_21 : vector<512x2x8x128xf32>
    %add3A = arith.addf %mul3A_20, %mul3A_22 : vector<512x2x8x128xf32>
    %swap3A = arith.constant 0 : index
    %swap3A_23 = arith.constant 0 : index
    %swap3A_24 = arith.constant 0 : index
    %swap3A_25 = arith.constant 0 : index
    %swap3A_26 = vector.load %arg3[%swap3A, %swap3A_23, %swap3A_24, %swap3A_25] : memref<512x3x8x128xf32, #tpu.memory_space<vmem>>, vector<512x2x8x128xf32>
    tpu.vector_store %arg3[%swap3A, %swap3A_23, %swap3A_24, %swap3A_25], %add3A {strides = array<i32>} : memref<512x3x8x128xf32, #tpu.memory_space<vmem>>, vector<512x2x8x128xf32>,
    %get3A_27 = arith.constant 0 : index
    %get3A_28 = arith.constant 2 : index
    %get3A_29 = arith.constant 0 : index
    %get3A_30 = arith.constant 0 : index
    %get3A_31 = vector.load %arg1[%get3A_27, %get3A_28, %get3A_29, %get3A_30] : memref<512x3x8x128xf32, #tpu.memory_space<vmem>>, vector<512x1x8x128xf32>
    %swap3A_32 = arith.constant 0 : index
    %swap3A_33 = arith.constant 2 : index
    %swap3A_34 = arith.constant 0 : index
    %swap3A_35 = arith.constant 0 : index
    %swap3A_36 = vector.load %arg3[%swap3A_32, %swap3A_33, %swap3A_34, %swap3A_35] : memref<512x3x8x128xf32, #tpu.memory_space<vmem>>, vector<512x1x8x128xf32>
    tpu.vector_store %arg3[%swap3A_32, %swap3A_33, %swap3A_34, %swap3A_35], %get3A_31 {strides = array<i32>} : memref<512x3x8x128xf32, #tpu.memory_space<vmem>>, vector<512x1x8x128xf32>,
    return
  }
  func.func @transform_0(%arg0: i32) -> (i32, i32, i32, i32) {
    %c0_i32 = arith.constant 0 : i32
    %c0_i32_0 = arith.constant 0 : i32
    %c0_i32_1 = arith.constant 0 : i32
    %c0_i32_2 = arith.constant 0 : i32
    return %arg0, %c0_i32, %c0_i32_0, %c0_i32_1 : i32, i32, i32, i32
  }
  func.func @transform_1(%arg0: i32) -> (i32, i32) {
    %c0_i32 = arith.constant 0 : i32
    %c0_i32_0 = arith.constant 0 : i32
    return %arg0, %c0_i32 : i32, i32
  }
  func.func @transform_2(%arg0: i32) -> (i32, i32, i32, i32) {
    %c0_i32 = arith.constant 0 : i32
    %c0_i32_0 = arith.constant 0 : i32
    %c0_i32_1 = arith.constant 0 : i32
    %c0_i32_2 = arith.constant 0 : i32
    return %arg0, %c0_i32, %c0_i32_0, %c0_i32_1 : i32, i32, i32, i32
  }
}

</mosaic_0001>

<sc_bundles>
// kernel: kernel.4.cloned.1.call-start
scs
__scs_entry_jumppad:
0x0: {  	(pc) =	sbr.rel $0x88, $3  }
0x1: {  	(tag) =	ssettag $0x0;
	lr =	simm.s32 $0x1  }
0x2: {  	[smem:$0x3F9D] =	sst lr;
	_ =	strace $0xD0000000  }
0x3: {  	_ = 	snop  }
0x4: {  	_ = 	snop  }
0x5: {  	_ = 	snop  }
0x6: {  	_ = 	snop  }
0x7: {  	_ = 	snop  }
__scs_overlays_trampoline_lowered:
0x8: {  	[smem:$0x3FAC] =	sst s0  }
0x9: {  	[smem:$0x3FAD] =	sst s1  }
0xa: {  	[smem:$0x3FAE] =	sst s2  }
0xb: {  	[smem:$0x3FAF] =	sst s3  }
0xc: {  	[smem:$0x3FB0] =	sst s4  }
0xd: {  	[smem:$0x3FB1] =	sst s5  }
0xe: {  	[smem:$0x3FB2] =	sst s6  }
0xf: {  	[smem:$0x3FB3] =	sst s7  }
0x10: {  	[smem:$0x3FB4] =	sst s8  }
0x11: {  	[smem:$0x3FB5] =	sst s9;
	s0 =	simm.s32 @!p0 $0x0  }
0x12: {  	s1 =	sld [smem:$0x3F9B];
	s0 =	simm.s32 @p0 $0x1  }
0x13: {  	[smem:$0x3FB6] =	sst s0;
	s0 =	simm.s32 @!p1 $0x0  }
0x14: {  	s2 =	sld [smem:$0x3F9A];
	s0 =	simm.s32 @p1 $0x1  }
0x15: {  	[smem:$0x3FB7] =	sst s0;
	s0 =	simm.s32 @!p2 $0x0  }
0x16: {  	s3 =	sld [smem:$0x3FDB];
	s0 =	simm.s32 @p2 $0x1  }
0x17: {  	s4 =	simm.s32 $0x1BF5;
	[smem:$0x3FB9] =	sst s0  }
0x18: {  	s0 =	sld [smem:$0x3F9C];
	_ =	swait.ge [sflag:s4], $0x0  }
0x19: {  	s7 =	sld [smem:$0x3F9D]  }
0x1a: {  	s8 =	sadd.s32 $0xFFFFE003, lr  }
0x1b: {  	s9 =	sadd.s32 $0xFFFFFEF7, lr;
	s5 =	simm.s32 $0xFFFFFFFF;
	p2 =	slt.u32 s8, $0xFFFFF086  }
0x1c: {  	p1 =	slt.u32 s9, $0xF7A;
	s5 =	simm.s32 @!p2 $0x0  }
0x1d: {  	s5 =	simm.s32 @p1 $0x1;
	p0 =	seq.s32 s7, s2  }
0x1e: {  	s7 =	smul.u32 @!p0 $0xF7A, s2;
	p2 =	seq.s32 @!p0 s5, $0x0  }
0x1f: {  	s9 =	smul.u32 $0xF7A, s1;
	s8 =	simm.s32 @!p0 $0x1BF5;
	p2 =	por !p2, p0  }
0x20: {  	[sflag:s8] =	ssyncset.s32 @!p0 $0xFFFFF086;
	s6 =	sadd.s32 @!p0 s3, s7;
	s7 =	simm.s32 @!p0 $0x108  }
0x21: {  	s3 =	sadd.s32 s3, s9;
	s6 =	sadd.s32 @!p0 $0x88, s6;
	s7 =	simm.s32 @p2 $0x1082  }
0x22: {  	[simem:s7], [sflag:s8] =	dma.local @!p0 [hbm:s6], $0xF7A  }
0x23: {  	s9 =	sor.u32 $0xD0000000, s2;
	s6 =	simm.s32 $0x108;
	_ =	swait.ge @!p0 [sflag:s8], $0x0  }
0x24: {  	s3 =	sadd.s32 $0x88, s3;
	s6 =	simm.s32 @!p1 $0x1082;
	[sflag:s4] =	ssyncset.s32 $0xFFFFF086  }
0x25: {  	[simem:s6], [sflag:s4] =	dma.local [hbm:s3], $0xF7A  }
0x26: {  	[smem:$0x3F9D] =	sst s1;
	(tag) =	ssettag s2;
	_ =	strace s9  }
0x27: {  	s1 =	sld [smem:$0x3FAD]  }
0x28: {  	s2 =	sld [smem:$0x3FAE]  }
0x29: {  	s4 =	sld [smem:$0x3FB0]  }
0x2a: {  	p0 =	seq.s32 s5, $0x0;
	s5 =	sld [smem:$0x3FB1]  }
0x2b: {  	s6 =	sld [smem:$0x3FB2]  }
0x2c: {  	s7 =	sld [smem:$0x3FB3]  }
0x2d: {  	s3 =	simm.s32 $0x108;
	s8 =	sld [smem:$0x3FB4]  }
0x2e: {  	s3 =	simm.s32 @!p0 $0x1082;
	s9 =	sld [smem:$0x3FB5]  }
0x2f: {  	lr =	sadd.s32 s0, s3;
	s0 =	sld [smem:$0x3FAC]  }
0x30: {  	s3 =	sld [smem:$0x3FAF]  }
0x31: {  	[smem:$0x3FB8] =	sst s10  }
0x32: {  	s10 =	sld [smem:$0x3FB6];
	_ =	sdelay $0x3  }
0x33: {  	p0 =	seq.s32 s10, $0x1;
	s10 =	sld [smem:$0x3FB8];
	_ =	sdelay $0x3  }
0x34: {  	[smem:$0x3FB8] =	sst s10  }
0x35: {  	s10 =	sld [smem:$0x3FB7];
	_ =	sdelay $0x3  }
0x36: {  	p1 =	seq.s32 s10, $0x1;
	s10 =	sld [smem:$0x3FB8];
	_ =	sdelay $0x3  }
0x37: {  	[smem:$0x3FB8] =	sst s10  }
0x38: {  	s10 =	sld [smem:$0x3FB9]  }
0x39: {  	_ = 	snop;
	(pc) =	sbr.ind lr, $3  }
0x3a: {  	_ = 	snop  }
0x3b: {  	_ = 	snop  }
0x3c: {  	p2 =	seq.s32 s10, $0x1;
	s10 =	sld [smem:$0x3FB8]  }
0x3d: {  	_ =	shalt  }
0x3e: {  	_ =	shalt  }
0x3f: {  	_ =	shalt  }
0x40: {  	_ =	shalt  }
0x41: {  	_ =	shalt  }
0x42: {  	_ =	shalt  }
0x43: {  	_ =	shalt  }
0x44: {  	_ =	shalt  }
0x45: {  	_ =	shalt  }
0x46: {  	_ =	shalt  }
0x47: {  	_ =	shalt  }
0x48: {  	_ =	shalt  }
0x49: {  	_ =	shalt  }
0x4a: {  	_ =	shalt  }
0x4b: {  	_ =	shalt  }
0x4c: {  	_ =	shalt  }
0x4d: {  	_ =	shalt  }
0x4e: {  	_ =	shalt  }
0x4f: {  	_ =	shalt  }
0x50: {  	_ =	shalt  }
0x51: {  	_ =	shalt  }
0x52: {  	_ =	shalt  }
0x53: {  	_ =	shalt  }
0x54: {  	_ =	shalt  }
0x55: {  	_ =	shalt  }
0x56: {  	_ =	shalt  }
0x57: {  	_ =	shalt  }
0x58: {  	_ =	shalt  }
0x59: {  	_ =	shalt  }
0x5a: {  	_ =	shalt  }
0x5b: {  	_ =	shalt  }
0x5c: {  	_ =	shalt  }
0x5d: {  	_ =	shalt  }
0x5e: {  	_ =	shalt  }
0x5f: {  	_ =	shalt  }
0x60: {  	_ =	shalt  }
0x61: {  	_ =	shalt  }
0x62: {  	_ =	shalt  }
0x63: {  	_ =	shalt  }
0x64: {  	_ =	shalt  }
0x65: {  	_ =	shalt  }
0x66: {  	_ =	shalt  }
0x67: {  	_ =	shalt  }
0x68: {  	_ =	shalt  }
0x69: {  	_ =	shalt  }
0x6a: {  	_ =	shalt  }
0x6b: {  	_ =	shalt  }
0x6c: {  	_ =	shalt  }
0x6d: {  	_ =	shalt  }
0x6e: {  	_ =	shalt  }
0x6f: {  	_ =	shalt  }
0x70: {  	_ =	shalt  }
0x71: {  	_ =	shalt  }
0x72: {  	_ =	shalt  }
0x73: {  	_ =	shalt  }
0x74: {  	_ =	shalt  }
0x75: {  	_ =	shalt  }
0x76: {  	_ =	shalt  }
0x77: {  	_ =	shalt  }
0x78: {  	_ =	shalt  }
0x79: {  	_ =	shalt  }
0x7a: {  	_ =	shalt  }
0x7b: {  	_ =	shalt  }
0x7c: {  	_ =	shalt  }
0x7d: {  	_ =	shalt  }
0x7e: {  	_ =	shalt  }
0x7f: {  	_ =	shalt  }
0x80: {  	_ =	shalt  }
0x81: {  	_ =	shalt  }
0x82: {  	_ =	shalt  }
0x83: {  	_ =	shalt  }
0x84: {  	_ =	shalt  }
0x85: {  	_ =	shalt  }
0x86: {  	_ =	shalt  }
0x87: {  	_ =	shalt  }
.Lfunc_end0:
.L_simem_size_0:
called_computation_lowered:
.L_overlay_start_0:
0x88: {  	s2 =	sld [smem:$0x3FD9]  }
0x89: {  	s3 =	sld [smem:$0x3FFE];
	_ =	sdelay $0x1  }
0x8a: {  	s1 =	srdreg.scid  }
0x8b: {  	s0 =	sand.u32 $0x1, s1  }
0x8c: {  	s16 =	sshll.u32 s0, $0xA;
	s2 =	sadd.s32 s3, s2  }
0x8d: {  	s2 =	sadd.s32 s2, s16  }
0x8e: {  	[smem:$0x3FC4] =	sst s2  }
0x8f: {  	_ = 	snop  }
0x90: {  	(tm) =	ssettm $0x1  }
0x91: {  	s17 =	sld [smem:$0x3FFB];
	_ =	sdelay $0x3  }
0x92: {  	_ =	strace s17  }
0x93: {  	s2 =	sld [smem:$0x3FFC];
	_ =	sdelay $0x3  }
0x94: {  	_ =	strace s2  }
0x95: {  	s2 =	sld [smem:$0x3FFD];
	_ =	sdelay $0x3  }
0x96: {  	_ =	strace s2  }
0x97: {  	_ =	strace $0x8FFFFFFF  }
0x98: {  	s18 =	sld [smem:$0x3FDB];
	_ =	sdelay $0x1  }
0x99: {  	s19 =	simm.s32 $_scs_section_size  }
0x9a: {  	s4 =	simm.s32 $_size__tile_overlayer_lowered;
	s5 =	simm.s32 $_tile_overlayer_lowered  }
0x9b: {  	s22 =	simm.s32 $0x1BFF;
	s21 =	sshll.u32 s5, $0x1;
	s2 =	sadd.s32 s19, s18  }
0x9c: {  	s6 =	simm.s32 $0x0;
	s20 =	sshll.u32 s4, $0x1;
	s4 =	sadd.s32 s21, s2  }
0x9d: {  	[timem:s6], [sflag:s22] =	dma.local [hbm:s4], s20  }
0x9e: {  	_ =	swait.ge [sflag:s22], s20  }
0x9f: {  	s3 =	ssub.s32 $0x0, s20;
	[sflag:s22] =	ssyncset.done $0x0  }
0xa0: {  	[sflag:s22] =	ssyncadd.s32 s3;
	_ =	sdelay $0x1  }
0xa1: {  	s23 =	simm.s32 $0x1B8B  }
0xa2: {  	_ =	swait.ge [sflag:s23], $0x1  }
0xa3: {  	[sflag:s23] =	ssyncset.done $0x0  }
0xa4: {  	s25 =	simm.s32 $0x1B8E;
	s24 =	sld [smem:$0x3FFE];
	[sflag:s23] =	ssyncadd.s32 $0xFFFFFFFF  }
0xa5: {  	s26 =	simm.s32 $execute0_lowered;
	[smem:$0x3FD2] =	sst s25  }
0xa6: {  	s4 =	sshll.u32 s26, $0x1;
	_ =	strace $0x80000046;
	[dreg:$0x1] =	wrdreg $0xFFFFFFFF  }
0xa7: {  	s28 =	simm.s32 $_size_execute0_lowered;
	s2 =	sadd.s32 s2, s4;
	[dreg:$0x0] =	wrdreg $0x0  }
0xa8: {  	s4 =	sshll.u32 s28, $0x1;
	[dreg:$0x2] =	wrdreg s2  }
0xa9: {  	[dreg:$0x3] =	wrdreg s4  }
0xaa: {  	[dreg:$0x4] =	wrdreg $0xC0  }
0xab: {  	_ =	task [dreg:s6], $0x5FFFF  }
0xac: {  	[dreg:$0x1] =	wrdreg $0xFFFFFFFF  }
0xad: {  	[dreg:$0x0] =	wrdreg $0x60  }
0xae: {  	[dreg:$0x2] =	wrdreg s24  }
0xaf: {  	[dreg:$0x3] =	wrdreg $0x9  }
0xb0: {  	_ =	task.clear_ibuf [dreg:s6], $0x4FFFF;
	_ =	strace $0x90000046  }
0xb1: {  	s29 =	simm.s32 $0x9;
	_ =	strace $0x80000048  }
0xb2: {  	_ =	swait.ge [sflag:s29], $0x1  }
0xb3: {  	[sflag:s29] =	ssyncadd.s32 $0xFFFFFFFF  }
0xb4: {  	_ =	strace $0x90000048  }
0xb5: {  	_ =	sfence  }
0xb6: {  	s30 =	sld [smem:$0x0];
	_ =	sdelay $0x2  }
0xb7: {  	s31 =	sshll.u32 s1, $0xD;
	s1 =	sshrl.u32 s1, $0x2  }
0xb8: {  	s3 =	sand.u32 $0x4000, s31;
	s1 =	sadd.s32 s1, s30  }
0xb9: {  	s0 =	sor.u32 s3, s0;
	s1 =	sshll.u32 s1, $0x11  }
0xba: {  	s0 =	sor.u32 s1, s0  }
0xbb: {  	s0 =	sadd.s32 $0x8F2B, s0  }
0xbc: {  	[sflag:s0] =	ssyncadd.remote.s32 $0x1  }
0xbd: {  	_ =	sfence.sel $0xFFFF  }
0xbe: {  	[dreg:$0x0] =	wrdreg $0xFFFFFFFF;
	(pc) =	sbr.abs _section_cstart, $3  }
0xbf: {  	[dreg:$0x1] =	wrdreg $0xFFFFFFFF  }
0xc0: {  	_ =	task.clear_ibuf [dreg:s6], $0x2FFFF;
	_ =	strace $0x9FFFFFFF  }
0xc1: {  	(tm) =	ssettm $0x7FFFFFFF  }
tec
execute0_lowered:
.L_overlay_start_1:
0x0: {  	(tag) =	ssettag $0x1  }
0x1: {  	s5 =	rddreg [dreg:$0x0]  }
0x2: {  	s0 =	rddreg [dreg:$0x1];
	s1 =	simm.s32 $0x0;
	s6 =	srdreg.scid  }
0x3: {  	s2 =	stileid.u32;
	s13 =	simm.s32 $0x1;
	[smem:$0x7FF] =	sst s1  }
0x4: {  	s3 =	sadd.s32 $0x600, s5;
	s4 =	sadd.s32 $0x800, s5;
	s6 =	sand.u32 $0x1, s6  }
0x5: {  	s8 =	sshll.u32 s2, $0x9;
	s7 =	ssub.s32 $0x2, s6;
	s6 =	sshll.u32 s6, $0x8  }
0x6: {  	s9 =	sadd.s32 $0x8800, s5;
	_ =	strace $0x80000047;
	s6 =	sor.u32 s6, s8  }
0x7: {  	v15 =	vlaneseq.u32;
	v16 =	vimm.s32 $0x1;
	s17 =	sshrl.u32 s7, $0x1;
	s8 =	sor.u32 $0x10, s6;
	s10 =	sor.u32 $0x20, s6  }
0x8: {  	v17 =	vimm.s32 $0x2;
	v18 =	vimm.s32 $0x3;
	v19 =	vimm.s32 $0x4;
	s11 =	sor.u32 $0x30, s6;
	s18 =	sor.u32 $0x40, s6;
	s19 =	sor.u32 $0x50, s6  }
0x9: {  	v20 =	vimm.s32 $0x5;
	v21 =	vimm.s32 $0x6;
	v22 =	vimm.s32 $0x7;
	s20 =	sor.u32 $0x60, s6;
	s21 =	sor.u32 $0x70, s6;
	s22 =	sor.u32 $0x80, s6  }
0xa: {  	v23 =	vimm.s32 $0x8;
	v24 =	vimm.s32 $0x0;
	v0 =	vor.u32 s6, v15;
	s23 =	sor.u32 $0x90, s6;
	s24 =	sor.u32 $0xA0, s6;
	s25 =	sor.u32 $0xB0, s6  }
0xb: {  	s12 =	sor.u32 $0xC0, s6;
	s26 =	sor.u32 $0xD0, s6;
	s28 =	sor.u32 $0xE0, s6;
	v1 =	vor.u32 s8, v15;
	v2 =	vor.u32 s10, v15;
	v3 =	vor.u32 s11, v15  }
0xc: {  	s29 =	sor.u32 $0xF0, s6;
	s7 =	ssub.s32 s7, s17;
	s30 =	sshll.u32 s6, $0x4;
	v4 =	vor.u32 s18, v15;
	v5 =	vor.u32 s19, v15;
	v6 =	vor.u32 s20, v15  }
0xd: {  	v7 =	vor.u32 s21, v15;
	v8 =	vor.u32 s22, v15;
	v9 =	vor.u32 s23, v15;
	s31 =	sshll.u32 s22, $0x4;
	s5 =	sadd.s32 s9, s30;
	s7 =	smax.u32 s7, $0x1  }
0xe: {  	v10 =	vor.u32 s24, v15;
	v11 =	vor.u32 s25, v15;
	v12 =	vor.u32 s12, v15;
	s8 =	simm.s32 $0x2;
	s10 =	simm.s32 $0x180;
	s11 =	simm.s32 $0x100  }
0xf: {  	v13 =	vor.u32 s26, v15;
	v14 =	vor.u32 s28, v15;
	v15 =	vor.u32 s29, v15;
	s12 =	simm.s32 $0x4180;
	s6 =	sadd.s32 s9, s31;
	s9 =	simm.s32 $0x80  }
.LBB2_1:
0x10: {  	[tilespmem:s1], [sflag:$0x2] =	stream.linear.gather [hbm4b:s3+s1], $0x80, $0x38;
	[tilespmem:$0x8180] =	vst v63  }
0x11: {  	_ =	swait.ge [sflag:s8], $0x80  }
0x12: {  	[sflag:s8] =	ssyncset.done $0x0  }
0x13: {  	[sflag:s8] =	ssyncadd.s32 $0xFFFFFF80  }
0x14: {  	v25 =	vld [tilespmem:$0x0];
	_ =	sdelay $0x4  }
0x15: {  	v33 =	vperm.xlane v25, v16;
	v32 =	vperm.xlane v25, v17  }
0x16: {  	v31 =	vperm.xlane v25, v18;
	v30 =	vperm.xlane v25, v19  }
0x17: {  	v29 =	vperm.xlane v25, v20;
	v28 =	vperm.xlane v25, v21  }
0x18: {  	v27 =	vperm.xlane v25, v22;
	v26 =	vperm.xlane v25, v23  }
0x19: {  	vm0 =	vge.s32 v0, v33;
	vm10 =	vge.s32 v0, v32;
	vm11 =	vge.s32 v0, v31  }
0x1a: {  	vm1 =	vge.s32 v0, v30;
	vm12 =	vge.s32 v0, v29;
	vm13 =	vge.s32 v0, v28  }
0x1b: {  	vm14 =	vge.s32 v0, v27;
	vm15 =	vge.s32 v0, v26;
	vm4 =	vge.s32 v1, v33  }
0x1c: {  	vm5 =	vge.s32 v1, v32;
	vm6 =	vge.s32 v1, v31;
	vm7 =	vge.s32 v1, v30  }
0x1d: {  	vm8 =	vge.s32 v1, v29;
	vm9 =	vge.s32 v1, v28;
	v34 =	vsel vm0, $0x1, v24  }
0x1e: {  	v35 =	vsel vm10, $0x1, v24;
	v36 =	vsel vm11, $0x1, v24;
	v37 =	vsel vm1, $0x1, v24  }
0x1f: {  	v38 =	vsel vm12, $0x1, v24;
	v39 =	vsel vm13, $0x1, v24;
	v40 =	vsel vm14, $0x1, v24  }
0x20: {  	v41 =	vsel vm15, $0x1, v24;
	v42 =	vsel vm4, $0x1, v24;
	v43 =	vsel vm5, $0x1, v24  }
0x21: {  	v44 =	vsel vm6, $0x1, v24;
	v45 =	vsel vm7, $0x1, v24;
	v46 =	vsel vm8, $0x1, v24  }
0x22: {  	v47 =	vsel vm9, $0x1, v24;
	vm10 =	vge.s32 v1, v27;
	vm11 =	vge.s32 v1, v26  }
0x23: {  	vm12 =	vge.s32 v2, v33;
	vm13 =	vge.s32 v2, v32;
	vm14 =	vge.s32 v2, v31  }
0x24: {  	vm15 =	vge.s32 v2, v30;
	vm4 =	vge.s32 v2, v29;
	vm5 =	vge.s32 v2, v28  }
0x25: {  	vm6 =	vge.s32 v2, v27;
	vm7 =	vge.s32 v2, v26;
	vm8 =	vge.s32 v3, v33  }
0x26: {  	vm9 =	vge.s32 v3, v32;
	v48 =	vsel vm10, $0x1, v24;
	v49 =	vsel vm11, $0x1, v24  }
0x27: {  	v50 =	vsel vm12, $0x1, v24;
	v51 =	vsel vm13, $0x1, v24;
	v52 =	vsel vm14, $0x1, v24  }
0x28: {  	v34 =	vadd.s32 v34, v35;
	v53 =	vsel vm15, $0x1, v24;
	v58 =	vsel vm4, $0x1, v24  }
0x29: {  	v59 =	vsel vm9, $0x1, v24;
	vm10 =	vge.s32 v3, v31;
	v60 =	vadd.s32 v42, v43  }
0x2a: {  	vm11 =	vge.s32 v3, v30;
	vm12 =	vge.s32 v3, v29;
	vm13 =	vge.s32 v3, v28  }
0x2b: {  	vm14 =	vge.s32 v3, v27;
	vm15 =	vge.s32 v3, v26;
	vm4 =	vge.s32 v4, v33  }
0x2c: {  	vm9 =	vge.s32 v4, v28;
	v34 =	vadd.s32 v36, v34;
	v61 =	vsel vm10, $0x1, v24  }
0x2d: {  	v35 =	vadd.s32 v44, v60;
	v43 =	vsel vm11, $0x1, v24;
	v62 =	vsel vm12, $0x1, v24  }
0x2e: {  	v63 =	vsel vm13, $0x1, v24;
	v55 =	vadd.s32 v50, v51;
	vm10 =	vge.s32 v4, v27  }
0x2f: {  	vm11 =	vge.s32 v4, v26;
	vm12 =	vge.s32 v5, v33;
	vm13 =	vge.s32 v5, v32  }
0x30: {  	v34 =	vadd.s32 v37, v34;
	v37 =	vsel vm5, $0x1, v24;
	v35 =	vadd.s32 v45, v35  }
0x31: {  	vm5 =	vge.s32 v4, v32;
	v60 =	vsel vm12, $0x1, v24;
	vm12 =	vge.s32 v6, v29  }
0x32: {  	v34 =	vadd.s32 v38, v34;
	v38 =	vsel vm6, $0x1, v24;
	v35 =	vadd.s32 v46, v35  }
0x33: {  	v46 =	vsel vm14, $0x1, v24;
	v56 =	vsel vm5, $0x1, v24;
	vm6 =	vge.s32 v4, v31  }
0x34: {  	vm14 =	vge.s32 v5, v31;
	vm5 =	vge.s32 v5, v28;
	v34 =	vadd.s32 v39, v34  }
0x35: {  	v39 =	vsel vm7, $0x1, v24;
	v35 =	vadd.s32 v47, v35;
	v47 =	vsel vm15, $0x1, v24  }
0x36: {  	v51 =	vsel vm6, $0x1, v24;
	vm7 =	vge.s32 v4, v30;
	v42 =	vsel vm14, $0x1, v24  }
0x37: {  	vm15 =	vge.s32 v5, v30;
	v45 =	vsel vm5, $0x1, v24;
	vm6 =	vge.s32 v5, v27  }
0x38: {  	vm14 =	vge.s32 v6, v27;
	vm5 =	vge.s32 v7, v32;
	v34 =	vadd.s32 v40, v34  }
0x39: {  	v40 =	vsel vm8, $0x1, v24;
	v35 =	vadd.s32 v48, v35;
	v48 =	vsel vm4, $0x1, v24  }
0x3a: {  	v57 =	vsel vm7, $0x1, v24;
	vm8 =	vge.s32 v4, v29;
	vm4 =	vge.s32 v5, v29  }
0x3b: {  	vm7 =	vge.s32 v5, v26;
	v34 =	vadd.s32 v41, v34;
	v35 =	vadd.s32 v49, v35  }
0x3c: {  	v49 =	vadd.s32 v52, v55;
	v59 =	vadd.s32 v40, v59;
	v56 =	vadd.s32 v48, v56  }
0x3d: {  	v48 =	vsel vm7, $0x1, v24;
	vm7 =	vge.s32 v7, v30;
	v49 =	vadd.s32 v53, v49  }
0x3e: {  	v53 =	vsel vm9, $0x1, v24;
	vm9 =	vge.s32 v6, v32;
	v36 =	vadd.s32 v58, v49  }
0x3f: {  	v58 =	vsel vm8, $0x1, v24;
	vm8 =	vge.s32 v6, v33;
	v36 =	vadd.s32 v37, v36  }
0x40: {  	v37 =	vadd.s32 v61, v59;
	v61 =	vsel vm13, $0x1, v24;
	v50 =	vsel vm8, $0x1, v24  }
0x41: {  	vm13 =	vge.s32 v6, v28;
	vm8 =	vge.s32 v7, v29;
	v36 =	vadd.s32 v38, v36  }
0x42: {  	v38 =	vsel vm10, $0x1, v24;
	v37 =	vadd.s32 v43, v37;
	vm10 =	vge.s32 v6, v31  }
0x43: {  	v60 =	vadd.s32 v60, v61;
	v61 =	vsel vm14, $0x1, v24;
	vm14 =	vge.s32 v8, v31  }
0x44: {  	v36 =	vadd.s32 v39, v36;
	v39 =	vsel vm11, $0x1, v24;
	v37 =	vadd.s32 v62, v37  }
0x45: {  	v62 =	vsel vm15, $0x1, v24;
	vm11 =	vge.s32 v6, v30;
	vm15 =	vge.s32 v6, v26  }
0x46: {  	v37 =	vadd.s32 v63, v37;
	v63 =	vsel vm4, $0x1, v24;
	v59 =	vsel vm11, $0x1, v24  }
0x47: {  	v41 =	vsel vm15, $0x1, v24;
	vm4 =	vge.s32 v7, v33;
	vm11 =	vge.s32 v7, v26  }
0x48: {  	vm15 =	vge.s32 v8, v30;
	v37 =	vadd.s32 v46, v37;
	v46 =	vsel vm6, $0x1, v24  }
0x49: {  	vm6 =	vge.s32 v7, v31;
	v37 =	vadd.s32 v47, v37;
	v47 =	vadd.s32 v51, v56  }
0x4a: {  	v56 =	vsel vm6, $0x1, v24;
	vm6 =	vge.s32 v8, v27;
	v47 =	vadd.s32 v57, v47  }
0x4b: {  	v57 =	vsel vm9, $0x1, v24;
	vm9 =	vge.s32 v7, v28;
	v44 =	vsel vm6, $0x1, v24  }
0x4c: {  	vm6 =	vge.s32 v10, v31;
	v47 =	vadd.s32 v58, v47;
	v58 =	vsel vm10, $0x1, v24  }
0x4d: {  	v57 =	vadd.s32 v50, v57;
	v50 =	vsel vm9, $0x1, v24;
	vm10 =	vge.s32 v7, v27  }
0x4e: {  	vm9 =	vge.s32 v9, v32;
	v47 =	vadd.s32 v53, v47;
	v53 =	vsel vm13, $0x1, v24  }
0x4f: {  	vm13 =	vge.s32 v8, v32;
	v38 =	vadd.s32 v38, v47;
	v47 =	vsel vm12, $0x1, v24  }
0x50: {  	vm12 =	vge.s32 v8, v33;
	v38 =	vadd.s32 v39, v38;
	v39 =	vadd.s32 v42, v60  }
0x51: {  	v60 =	vsel vm13, $0x1, v24;
	vm13 =	vge.s32 v9, v28;
	v39 =	vadd.s32 v62, v39  }
0x52: {  	v62 =	vsel vm4, $0x1, v24;
	vm4 =	vge.s32 v8, v29;
	v39 =	vadd.s32 v63, v39  }
0x53: {  	v63 =	vsel vm5, $0x1, v24;
	vm5 =	vge.s32 v8, v28;
	v39 =	vadd.s32 v45, v39  }
0x54: {  	v45 =	vsel vm7, $0x1, v24;
	v62 =	vadd.s32 v62, v63;
	v63 =	vsel vm4, $0x1, v24  }
0x55: {  	vm7 =	vge.s32 v8, v26;
	vm4 =	vge.s32 v10, v33;
	v39 =	vadd.s32 v46, v39  }
0x56: {  	v46 =	vsel vm8, $0x1, v24;
	vm8 =	vge.s32 v9, v33;
	v39 =	vadd.s32 v48, v39  }
0x57: {  	v48 =	vadd.s32 v58, v57;
	v58 =	vsel vm10, $0x1, v24;
	v57 =	vsel vm7, $0x1, v24  }
0x58: {  	vm10 =	vge.s32 v9, v31;
	vm7 =	vge.s32 v10, v30;
	v48 =	vadd.s32 v59, v48  }
0x59: {  	v59 =	vsel vm11, $0x1, v24;
	vm11 =	vge.s32 v9, v30;
	v47 =	vadd.s32 v47, v48  }
0x5a: {  	v48 =	vsel vm12, $0x1, v24;
	vm12 =	vge.s32 v9, v29;
	v47 =	vadd.s32 v53, v47  }
0x5b: {  	v53 =	vsel vm15, $0x1, v24;
	v48 =	vadd.s32 v48, v60;
	v60 =	vsel vm11, $0x1, v24  }
0x5c: {  	vm15 =	vge.s32 v9, v26;
	vm11 =	vge.s32 v10, v26;
	v40 =	vadd.s32 v61, v47  }
0x5d: {  	v61 =	vsel vm14, $0x1, v24;
	vm14 =	vge.s32 v9, v27;
	v40 =	vadd.s32 v41, v40  }
0x5e: {  	v41 =	vadd.s32 v56, v62;
	v56 =	vsel vm5, $0x1, v24;
	v47 =	vadd.s32 v61, v48  }
0x5f: {  	v61 =	vsel vm12, $0x1, v24;
	v62 =	vsel vm13, $0x1, v24;
	vm5 =	vge.s32 v10, v32  }
0x60: {  	vm12 =	vge.s32 v11, v33;
	vm13 =	vge.s32 v11, v32;
	v41 =	vadd.s32 v45, v41  }
0x61: {  	v47 =	vadd.s32 v53, v47;
	v41 =	vadd.s32 v46, v41;
	v46 =	vsel vm8, $0x1, v24  }
0x62: {  	v42 =	vadd.s32 v63, v47;
	v63 =	vsel vm14, $0x1, v24;
	vm8 =	vge.s32 v10, v29  }
0x63: {  	vm14 =	vge.s32 v11, v31;
	v41 =	vadd.s32 v50, v41;
	v42 =	vadd.s32 v56, v42  }
0x64: {  	v56 =	vsel vm15, $0x1, v24;
	vm15 =	vge.s32 v11, v30;
	v41 =	vadd.s32 v58, v41  }
0x65: {  	v58 =	vsel vm9, $0x1, v24;
	v42 =	vadd.s32 v44, v42;
	v44 =	vsel vm4, $0x1, v24  }
0x66: {  	vm9 =	vge.s32 v10, v28;
	vm4 =	vge.s32 v11, v29;
	v41 =	vadd.s32 v59, v41  }
0x67: {  	v59 =	vsel vm10, $0x1, v24;
	v42 =	vadd.s32 v57, v42;
	v57 =	vsel vm5, $0x1, v24  }
0x68: {  	v46 =	vadd.s32 v46, v58;
	v58 =	vsel vm6, $0x1, v24;
	vm10 =	vge.s32 v10, v27  }
0x69: {  	vm5 =	vge.s32 v11, v28;
	vm6 =	vge.s32 v11, v27;
	v46 =	vadd.s32 v59, v46  }
0x6a: {  	v59 =	vsel vm7, $0x1, v24;
	v44 =	vadd.s32 v44, v57;
	v57 =	vsel vm13, $0x1, v24  }
0x6b: {  	vm7 =	vge.s32 v11, v26;
	vm13 =	vge.s32 v12, v28;
	v52 =	vperm.xlane v25, v42  }
0x6c: {  	v46 =	vadd.s32 v60, v46;
	v60 =	vsel vm8, $0x1, v24;
	v44 =	vadd.s32 v58, v44  }
0x6d: {  	v58 =	vsel vm14, $0x1, v24;
	vm8 =	vge.s32 v12, v33;
	vm14 =	vge.s32 v12, v27  }
0x6e: {  	v46 =	vadd.s32 v61, v46;
	v61 =	vsel vm9, $0x1, v24;
	v44 =	vadd.s32 v59, v44  }
0x6f: {  	v59 =	vsel vm15, $0x1, v24;
	vm9 =	vge.s32 v12, v32;
	vm15 =	vge.s32 v12, v26  }
0x70: {  	v46 =	vadd.s32 v62, v46;
	v62 =	vsel vm10, $0x1, v24;
	v44 =	vadd.s32 v60, v44  }
0x71: {  	v60 =	vsel vm4, $0x1, v24;
	vm10 =	vge.s32 v12, v31;
	vm4 =	vge.s32 v13, v33  }
0x72: {  	v46 =	vadd.s32 v63, v46;
	v63 =	vsel vm11, $0x1, v24;
	v44 =	vadd.s32 v61, v44  }
0x73: {  	v61 =	vsel vm5, $0x1, v24;
	vm11 =	vge.s32 v12, v30;
	vm5 =	vge.s32 v13, v32  }
0x74: {  	v43 =	vadd.s32 v56, v46;
	v56 =	vsel vm12, $0x1, v24;
	v44 =	vadd.s32 v62, v44  }
0x75: {  	v62 =	vsel vm6, $0x1, v24;
	vm12 =	vge.s32 v12, v29;
	vm6 =	vge.s32 v13, v31  }
0x76: {  	v44 =	vadd.s32 v63, v44;
	v63 =	vsel vm7, $0x1, v24;
	v45 =	vadd.s32 v56, v57  }
0x77: {  	v56 =	vsel vm8, $0x1, v24;
	v57 =	vsel vm9, $0x1, v24;
	vm7 =	vge.s32 v13, v30  }
0x78: {  	vm8 =	vge.s32 v13, v29;
	vm9 =	vge.s32 v13, v28;
	v45 =	vadd.s32 v58, v45  }
0x79: {  	v58 =	vsel vm10, $0x1, v24;
	v46 =	vadd.s32 v56, v57;
	v56 =	vsel vm4, $0x1, v24  }
0x7a: {  	v57 =	vsel vm5, $0x1, v24;
	vm10 =	vge.s32 v13, v27;
	vm4 =	vge.s32 v14, v29  }
0x7b: {  	vm5 =	vge.s32 v14, v28;
	v45 =	vadd.s32 v59, v45;
	v59 =	vsel vm11, $0x1, v24  }
0x7c: {  	v46 =	vadd.s32 v58, v46;
	v58 =	vsel vm6, $0x1, v24;
	v50 =	vadd.s32 v56, v57  }
0x7d: {  	vm11 =	vge.s32 v13, v26;
	vm6 =	vge.s32 v15, v33;
	v45 =	vadd.s32 v60, v45  }
0x7e: {  	v60 =	vsel vm12, $0x1, v24;
	v46 =	vadd.s32 v59, v46;
	v59 =	vsel vm7, $0x1, v24  }
0x7f: {  	v48 =	vadd.s32 v58, v50;
	vm12 =	vge.s32 v14, v33;
	vm7 =	vge.s32 v15, v32  }
0x80: {  	v45 =	vadd.s32 v61, v45;
	v61 =	vsel vm13, $0x1, v24;
	v46 =	vadd.s32 v60, v46  }
0x81: {  	v60 =	vsel vm8, $0x1, v24;
	v48 =	vadd.s32 v59, v48;
	v56 =	vsel vm12, $0x1, v24  }
0x82: {  	vm13 =	vge.s32 v14, v32;
	v51 =	vsel vm7, $0x1, v24;
	vm8 =	vge.s32 v15, v31  }
0x83: {  	vm12 =	vge.s32 v14, v26;
	v45 =	vadd.s32 v62, v45;
	v62 =	vsel vm14, $0x1, v24  }
0x84: {  	v46 =	vadd.s32 v61, v46;
	v61 =	vsel vm9, $0x1, v24;
	v47 =	vadd.s32 v60, v48  }
0x85: {  	v57 =	vsel vm13, $0x1, v24;
	vm14 =	vge.s32 v14, v31;
	v60 =	vsel vm4, $0x1, v24  }
0x86: {  	v54 =	vsel vm8, $0x1, v24;
	vm9 =	vge.s32 v15, v30;
	vm13 =	vge.s32 v15, v28  }
0x87: {  	v45 =	vadd.s32 v63, v45;
	v63 =	vsel vm15, $0x1, v24;
	v46 =	vadd.s32 v62, v46  }
0x88: {  	v62 =	vsel vm10, $0x1, v24;
	v47 =	vadd.s32 v61, v47;
	v58 =	vsel vm14, $0x1, v24  }
0x89: {  	vm15 =	vge.s32 v14, v30;
	v48 =	vadd.s32 v56, v57;
	v61 =	vsel vm5, $0x1, v24  }
0x8a: {  	v56 =	vsel vm9, $0x1, v24;
	vm10 =	vge.s32 v14, v27;
	v57 =	vperm.xlane v25, v34  }
0x8b: {  	vm14 =	vge.s32 v15, v27;
	v46 =	vadd.s32 v63, v46;
	v63 =	vsel vm11, $0x1, v24  }
0x8c: {  	v47 =	vadd.s32 v62, v47;
	v59 =	vsel vm15, $0x1, v24;
	v62 =	vadd.s32 v58, v48  }
0x8d: {  	v58 =	vsel vm10, $0x1, v24;
	vm11 =	vge.s32 v15, v29;
	vm15 =	vge.s32 v15, v26  }
0x8e: {  	v47 =	vadd.s32 v63, v47;
	v63 =	vsel vm6, $0x1, v24;
	v49 =	vadd.s32 v59, v62  }
0x8f: {  	v59 =	vperm.xlane v25, v35;
	v32 =	vsub.s32 v0, v57;
	v53 =	vadd.s32 v63, v51  }
0x90: {  	v55 =	vadd.s32 v60, v49;
	v60 =	vperm.xlane v25, v36;
	v63 =	vperm.xlane v25, v37  }
0x91: {  	[tilespmem:$0x80] =	vst v32;
	v36 =	vperm.xlane v25, v38;
	v37 =	vperm.xlane v25, v39;
	v29 =	vsub.s32 v1, v59  }
0x92: {  	v39 =	vperm.xlane v25, v40;
	v40 =	vsel vm12, $0x1, v24;
	v62 =	vsub.s32 v2, v60;
	[tilespmem:$0x90] =	vst v29  }
0x93: {  	v51 =	vperm.xlane v25, v41;
	v31 =	vadd.s32 v54, v53;
	v38 =	vsub.s32 v3, v63;
	[tilespmem:$0xA0] =	vst v62  }
0x94: {  	v30 =	vadd.s32 v61, v55;
	v61 =	vsel vm11, $0x1, v24;
	v48 =	vsub.s32 v4, v36;
	[tilespmem:$0xB0] =	vst v38  }
0x95: {  	v53 =	vperm.xlane v25, v43;
	v54 =	vperm.xlane v25, v44;
	v49 =	vsub.s32 v5, v37;
	[tilespmem:$0xC0] =	vst v48  }
0x96: {  	v55 =	vsel vm13, $0x1, v24;
	v59 =	vperm.xlane v25, v47;
	v50 =	vsub.s32 v6, v39;
	[tilespmem:$0xD0] =	vst v49  }
0x97: {  	v31 =	vadd.s32 v56, v31;
	v30 =	vadd.s32 v58, v30;
	v27 =	vsub.s32 v7, v51;
	[tilespmem:$0xE0] =	vst v50  }
0x98: {  	v56 =	vperm.xlane v25, v45;
	v58 =	vperm.xlane v25, v46;
	[tilespmem:$0xF0] =	vst v27;
	v27 =	vsub.s32 v8, v52  }
0x99: {  	v31 =	vadd.s32 v61, v31;
	v29 =	vsub.s32 v9, v53;
	v57 =	vsub.s32 v10, v54;
	[tilespmem:$0x100] =	vst v27  }
0x9a: {  	v61 =	vsel vm14, $0x1, v24;
	v26 =	vadd.s32 v40, v30;
	[tilespmem:$0x110] =	vst v29;
	v60 =	vadd.s32 v55, v31  }
0x9b: {  	v62 =	vsel vm15, $0x1, v24;
	v27 =	vsub.s32 v11, v56;
	[tilespmem:$0x120] =	vst v57;
	v29 =	vadd.s32 v61, v60  }
0x9c: {  	v26 =	vperm.xlane v25, v26;
	[tilespmem:$0x130] =	vst v27;
	v27 =	vsub.s32 v12, v58;
	v63 =	vadd.s32 v62, v29  }
0x9d: {  	[tilespmem:$0x140] =	vst v27;
	v27 =	vsub.s32 v13, v59;
	v25 =	vperm.xlane v25, v63  }
0x9e: {  	v26 =	vsub.s32 v14, v26;
	[tilespmem:$0x150] =	vst v27  }
0x9f: {  	[tilespmem:$0x160] =	vst v26;
	v25 =	vsub.s32 v15, v25  }
0xa0: {  	[tilespmem:$0x170] =	vst v25  }
0xa1: {  	[tilespmem:s10], [sflag:$0x1] =	stream.indirect.gather [hbm4b:s4+s9], $0x80, s9, s9, $0xb8;
	[tilespmem:$0x8180] =	vst v63  }
0xa2: {  	_ = 	snop  }
0xa3: {  	[tilespmem:s12], [sflag:$0x1] =	stream.indirect.gather [hbm4b:s4+s9], $0x80, s11, s9, $0xb8;
	[tilespmem:$0x8180] =	vst v63  }
0xa4: {  	_ =	swait.ge [sflag:s13], $0x4000  }
0xa5: {  	[sflag:s13] =	ssyncset.done $0x0  }
0xa6: {  	[sflag:s13] =	ssyncadd.s32 $0xFFFFC000  }
0xa7: {  	_ =	swait.ge [sflag:s13], $0x4000  }
0xa8: {  	[sflag:s13] =	ssyncset.done $0x0  }
0xa9: {  	[sflag:s13] =	ssyncadd.s32 $0xFFFFC000  }
0xaa: {  	[hbm4b:s5+s1] =	stream.linear.scatter [tilespmem:s10], [sflag:$0x2], $0x4000, $0x38;
	[tilespmem:$0x8180] =	vst v63  }
0xab: {  	_ =	swait.ge [sflag:s8], $0x4000  }
0xac: {  	p0 =	sne.s32 s7, $0x1;
	[sflag:s8] =	ssyncset.done $0x0  }
.Ltmp0:
0xad: {  	[sflag:s8] =	ssyncadd.s32 $0xFFFFC000;
	(pc) =	sbr.rel @p0 .LBB2_1-.Ltmp0, $4  }
0xae: {  	[hbm4b:s6+s1] =	stream.linear.scatter [tilespmem:s12], [sflag:$0x2], $0x4000, $0x38;
	[tilespmem:$0x8180] =	vst v63  }
0xaf: {  	_ =	swait.ge [sflag:s8], $0x4000  }
0xb0: {  	[sflag:s8] =	ssyncset.done $0x0  }
0xb1: {  	s7 =	sadd.s32 $0xFFFFFFFF, s7;
	[sflag:s8] =	ssyncadd.s32 $0xFFFFC000  }
0xb2: {  	_ =	sfence.sel $0x180000  }
0xb3: {  	[bflag:$0x0] =	sbarrier.arrive $0xFFFF  }
0xb4: {  	p0 =	sne.s32 s2, $0x0;
	_ =	strace $0x90000047  }
0xb5: {  	s0 =	sadd.s32 @!p0 $0x100000, s0;
	[bflag:$0x2] =	sbarrier.arrive $0xFFFF  }
0xb6: {  	[sflag:s0] =	ssyncadd.tile.s32 @!p0 $0x1;
	_ =	shalt  }
.Lfunc_end2:
_tile_overlayer_lowered:
.L_overlay_start_2:
0xb7: {  	(tag) =	ssettag $0x2  }
0xb8: {  	s0 =	rddreg [dreg:$0x0];
	s2 =	stileid.u32  }
0xb9: {  	s1 =	rddreg [dreg:$0x1];
	p0 =	sne.s32 s2, $0x0  }
0xba: {  	s3 =	rddreg [dreg:$0x2];
	[bflag:$0x3] =	sbarrier.arrive $0xFFFF;
	s2 =	simm.s32 @!p0 $0x1C02  }
0xbb: {  	[timem:s3], [sflag:s2] =	dma.local @!p0 [hbm:s0], s1  }
0xbc: {  	s0 =	simm.s32 @!p0 $0x2  }
0xbd: {  	_ =	swait.ge @!p0 [sflag:s0], s1  }
0xbe: {  	s1 =	ssub.s32 @!p0 $0x0, s1;
	[sflag:s0] =	ssyncset.done @!p0 $0x0  }
0xbf: {  	[sflag:s0] =	ssyncadd.s32 @!p0 s1  }
0xc0: {  	[bflag:$0x3] =	sbarrier.arrive $0xFFFF  }
0xc1: {  	_ =	shalt  }

</sc_bundles>
